<compile_context>
chip_gen: v7x
topology: tpu7x:2x2x1
jax: 0.10.2.dev20260603
libtpu: 0.0.44.dev20260713+nightly
codegen_flags: <defaults>
</compile_context>

<pallas_src>
import jax
import jax.numpy as jnp
from jax import lax
from jax.experimental import pallas as pl
from jax.experimental.pallas import tpu as pltpu
from jax.experimental.pallas import tpu_sc as plsc

N_NODES = 10000
N_EDGES = 320000
D = 128

NC = 2
NS = 16

N_PAD = 10240
ROWS_PER_TILE = N_PAD // NS
EDGES_PER_TILE = N_EDGES // (NC * NS)
CHUNK = 128
NFULL = EDGES_PER_TILE // CHUNK
NPAIRS = NFULL // 2
TAIL = EDGES_PER_TILE - NFULL * CHUNK

_MESH = plsc.VectorSubcoreMesh(core_axis_name="c", subcore_axis_name="s")


def _hist_body(src_hbm, dst_hbm, zeros1_hbm, ones_hbm,
               oa_hbm, ob_hbm, ia_hbm, ib_hbm,
               ohist_sh, ihist_sh, sidx_v, didx_v, ones_v, sema, semb):
    c = lax.axis_index("c")
    s = lax.axis_index("s")
    r0 = s * ROWS_PER_TILE
    ebase = (c * NS + s) * EDGES_PER_TILE
    pltpu.sync_copy(zeros1_hbm, ohist_sh.at[pl.ds(r0, ROWS_PER_TILE)])
    pltpu.sync_copy(zeros1_hbm, ihist_sh.at[pl.ds(r0, ROWS_PER_TILE)])
    pltpu.sync_copy(src_hbm.at[pl.ds(ebase, EDGES_PER_TILE)], sidx_v)
    pltpu.sync_copy(dst_hbm.at[pl.ds(ebase, EDGES_PER_TILE)], didx_v)
    pltpu.sync_copy(ones_hbm, ones_v)
    plsc.subcore_barrier()

    def start(j, n):
        osl = ohist_sh.at[sidx_v.at[pl.ds(j * CHUNK, n)]]
        isl = ihist_sh.at[didx_v.at[pl.ds(j * CHUNK, n)]]
        pltpu.async_copy(ones_v.at[pl.ds(0, n)], osl, sema, add=True)
        pltpu.async_copy(ones_v.at[pl.ds(0, n)], isl, semb, add=True)

    def wait(j, n):
        osl = ohist_sh.at[sidx_v.at[pl.ds(j * CHUNK, n)]]
        isl = ihist_sh.at[didx_v.at[pl.ds(j * CHUNK, n)]]
        pltpu.make_async_copy(ones_v.at[pl.ds(0, n)], osl, sema).wait()
        pltpu.make_async_copy(ones_v.at[pl.ds(0, n)], isl, semb).wait()

    start(0, CHUNK)
    start(1, CHUNK)
    start(2, CHUNK)
    start(3, CHUNK)

    def body(j, carry):
        wait(j - 4, CHUNK)

        @pl.when(j < NFULL)
        def _():
            start(j, CHUNK)

        return carry

    lax.fori_loop(4, NFULL + 4, body, 0)
    start(NFULL, TAIL)
    wait(NFULL, TAIL)
    plsc.subcore_barrier()

    @pl.when(c == 0)
    def _():
        pltpu.sync_copy(ohist_sh.at[pl.ds(r0, ROWS_PER_TILE)],
                        oa_hbm.at[pl.ds(r0, ROWS_PER_TILE)])
        pltpu.sync_copy(ihist_sh.at[pl.ds(r0, ROWS_PER_TILE)],
                        ia_hbm.at[pl.ds(r0, ROWS_PER_TILE)])

    @pl.when(c == 1)
    def _():
        pltpu.sync_copy(ohist_sh.at[pl.ds(r0, ROWS_PER_TILE)],
                        ob_hbm.at[pl.ds(r0, ROWS_PER_TILE)])
        pltpu.sync_copy(ihist_sh.at[pl.ds(r0, ROWS_PER_TILE)],
                        ib_hbm.at[pl.ds(r0, ROWS_PER_TILE)])


_deg1 = jax.ShapeDtypeStruct((N_PAD,), jnp.float32)
_hist = pl.kernel(
    _hist_body,
    out_type=(_deg1, _deg1, _deg1, _deg1),
    mesh=_MESH,
    scratch_types=[
        pltpu.VMEM_SHARED((N_PAD,), jnp.float32),
        pltpu.VMEM_SHARED((N_PAD,), jnp.float32),
        pltpu.VMEM((EDGES_PER_TILE,), jnp.int32),
        pltpu.VMEM((EDGES_PER_TILE,), jnp.int32),
        pltpu.VMEM((CHUNK,), jnp.float32),
        pltpu.SemaphoreType.DMA,
        pltpu.SemaphoreType.DMA,
    ],
)


def _agg_body(msg_hbm, src_hbm, dst_hbm, zeros_hbm,
              agg_hbm,
              agg_sh, sidx0, didx0, sidx1, didx1, rows0, rows1,
              semi0, semi1, semg0, semg1):
    c = lax.axis_index("c")
    s = lax.axis_index("s")
    r0 = s * ROWS_PER_TILE
    ebase = (c * NS + s) * EDGES_PER_TILE
    pltpu.sync_copy(zeros_hbm, agg_sh.at[pl.ds(r0, ROWS_PER_TILE)])
    plsc.subcore_barrier()

    def start_idx(j, sv, dv, sem):
        pltpu.async_copy(src_hbm.at[pl.ds(ebase + j * CHUNK, CHUNK)], sv, sem)
        pltpu.async_copy(dst_hbm.at[pl.ds(ebase + j * CHUNK, CHUNK)], dv, sem)

    def wait_idx(j, sv, dv, sem):
        pltpu.make_async_copy(src_hbm.at[pl.ds(ebase + j * CHUNK, CHUNK)],
                              sv, sem).wait()
        pltpu.make_async_copy(dst_hbm.at[pl.ds(ebase + j * CHUNK, CHUNK)],
                              dv, sem).wait()

    def scatter(rows, dv):
        pltpu.sync_copy(rows, agg_sh.at[dv], add=True)

    start_idx(0, sidx0, didx0, semi0)
    start_idx(1, sidx1, didx1, semi1)
    wait_idx(0, sidx0, didx0, semi0)
    pltpu.async_copy(msg_hbm.at[sidx0], rows0, semg0)
    wait_idx(1, sidx1, didx1, semi1)

    def pair(i, carry):
        a = 2 * i
        pltpu.make_async_copy(msg_hbm.at[sidx0], rows0, semg0).wait()
        pltpu.async_copy(msg_hbm.at[sidx1], rows1, semg1)
        scatter(rows0, didx0)

        @pl.when(i < NPAIRS - 1)
        def _():
            start_idx(a + 2, sidx0, didx0, semi0)

        pltpu.make_async_copy(msg_hbm.at[sidx1], rows1, semg1).wait()

        @pl.when(i < NPAIRS - 1)
        def _():
            wait_idx(a + 2, sidx0, didx0, semi0)
            pltpu.async_copy(msg_hbm.at[sidx0], rows0, semg0)

        scatter(rows1, didx1)

        @pl.when(i < NPAIRS - 1)
        def _():
            start_idx(a + 3, sidx1, didx1, semi1)
            wait_idx(a + 3, sidx1, didx1, semi1)

        return carry

    lax.fori_loop(0, NPAIRS, pair, 0)

    tb = ebase + NFULL * CHUNK
    pltpu.sync_copy(src_hbm.at[pl.ds(tb, TAIL)], sidx0.at[pl.ds(0, TAIL)])
    pltpu.sync_copy(dst_hbm.at[pl.ds(tb, TAIL)], didx0.at[pl.ds(0, TAIL)])
    pltpu.sync_copy(msg_hbm.at[sidx0.at[pl.ds(0, TAIL)]],
                    rows0.at[pl.ds(0, TAIL)])
    pltpu.sync_copy(rows0.at[pl.ds(0, TAIL)],
                    agg_sh.at[didx0.at[pl.ds(0, TAIL)]], add=True)
    plsc.subcore_barrier()
    pltpu.sync_copy(agg_sh.at[pl.ds(r0, ROWS_PER_TILE)],
                    agg_hbm.at[c, pl.ds(r0, ROWS_PER_TILE)])


_agg = pl.kernel(
    _agg_body,
    out_type=jax.ShapeDtypeStruct((NC, N_PAD, D), jnp.float32),
    mesh=_MESH,
    scratch_types=[
        pltpu.VMEM_SHARED((N_PAD, D), jnp.float32),
        pltpu.VMEM((CHUNK,), jnp.int32),
        pltpu.VMEM((CHUNK,), jnp.int32),
        pltpu.VMEM((CHUNK,), jnp.int32),
        pltpu.VMEM((CHUNK,), jnp.int32),
        pltpu.VMEM((CHUNK, D), jnp.float32),
        pltpu.VMEM((CHUNK, D), jnp.float32),
        pltpu.SemaphoreType.DMA,
        pltpu.SemaphoreType.DMA,
        pltpu.SemaphoreType.DMA,
        pltpu.SemaphoreType.DMA,
    ],
)


BLK = 2000


def _msg_body(x_ref, outdeg_ref, msg_ref):
    deg = jnp.maximum(outdeg_ref[...], 1.0)
    msg_ref[...] = x_ref[...] * lax.rsqrt(deg)


def _msg(x, outdeg):
    return pl.pallas_call(
        _msg_body,
        out_shape=jax.ShapeDtypeStruct((N_NODES, D), jnp.float32),
        grid=(N_NODES // BLK,),
        in_specs=[
            pl.BlockSpec((BLK, D), lambda i: (i, 0)),
            pl.BlockSpec((BLK, 1), lambda i: (i, 0)),
        ],
        out_specs=pl.BlockSpec((BLK, D), lambda i: (i, 0)),
    )(x, outdeg)


def _final_body(agg_ref, indeg_ref, w_ref, b_ref, out_ref):
    a = agg_ref[0] + agg_ref[1]
    deg = jnp.maximum(indeg_ref[...], 1.0)
    h = a * lax.rsqrt(deg)
    out_ref[...] = jnp.dot(h, w_ref[...],
                           preferred_element_type=jnp.float32) + b_ref[...]


def _final(agg, indeg, W, b2):
    return pl.pallas_call(
        _final_body,
        out_shape=jax.ShapeDtypeStruct((N_NODES, D), jnp.float32),
        grid=(N_NODES // BLK,),
        in_specs=[
            pl.BlockSpec((NC, BLK, D), lambda i: (0, i, 0)),
            pl.BlockSpec((BLK, 1), lambda i: (i, 0)),
            pl.BlockSpec((D, D), lambda i: (0, 0)),
            pl.BlockSpec((1, D), lambda i: (0, 0)),
        ],
        out_specs=pl.BlockSpec((BLK, D), lambda i: (i, 0)),
    )(agg, indeg, W, b2)


def kernel(inputs, edge_index, W, b):
    x = inputs
    src = edge_index[0]
    dst = edge_index[1]
    zeros1 = jnp.zeros((ROWS_PER_TILE,), jnp.float32)
    ones1 = jnp.ones((CHUNK,), jnp.float32)
    oa, ob, ia, ib = _hist(src, dst, zeros1, ones1)
    outdeg_col = (oa + ob)[:N_NODES].reshape(N_NODES, 1)
    indeg_col = (ia + ib)[:N_NODES].reshape(N_NODES, 1)
    msg = _msg(x, outdeg_col)
    zerosN = jnp.zeros((ROWS_PER_TILE, D), jnp.float32)
    agg = _agg(msg, src, dst, zerosN)
    return _final(agg, indeg_col, W, b.reshape(1, D))

# --- scband reference (transcript-rebuilt; emitter-appended) ---
"""Pipeline reference for scband-gcnmodel-72619307041223 (READ-ONLY COPY).

The authoritative reference and input builder live on the scoring server;
editing this copy changes nothing except your own understanding.
"""

import jax
import jax.numpy as jnp
import numpy as np

N_NODES = 10000
N_EDGES = 320000
D_FEAT = 128


def setup_inputs(seed: int = 0) -> dict:
    key = jax.random.key(seed)
    k1, k2, k3 = jax.random.split(key, 3)
    x = jax.random.normal(k1, (N_NODES, D_FEAT), dtype=jnp.float32)
    edge_index = jax.random.randint(k2, (2, N_EDGES), 0, N_NODES, dtype=jnp.int32)
    # GraphConv weight (glorot-style init) and bias
    scale = 1.0 / np.sqrt(D_FEAT)
    W = jax.random.normal(k3, (D_FEAT, D_FEAT), dtype=jnp.float32) * scale
    b = jnp.zeros((D_FEAT,), dtype=jnp.float32)
    return {"inputs": x, "edge_index": edge_index, "W": W, "b": b}


def reference(inputs, edge_index, W, b):
    # Faithful translation of dgl.nn.GraphConv with norm='both', bias=True.
    # h = D_in^{-1/2} A D_out^{-1/2} X W + b
    x = inputs
    src = edge_index[0]
    dst = edge_index[1]
    n = x.shape[0]
    ones = jnp.ones((src.shape[0],), dtype=jnp.float32)
    out_deg = jax.ops.segment_sum(ones, src, num_segments=n)
    in_deg = jax.ops.segment_sum(ones, dst, num_segments=n)
    out_deg = jnp.clip(out_deg, 1.0, None)
    in_deg = jnp.clip(in_deg, 1.0, None)
    norm_src = jnp.power(out_deg, -0.5)
    norm_dst = jnp.power(in_deg, -0.5)
    # in_feats == out_feats -> aggregate first, then apply weight
    msg = x * norm_src[:, None]
    gathered = jnp.take(msg, src, axis=0)
    agg = jax.ops.segment_sum(gathered, dst, num_segments=n)
    h = agg * norm_dst[:, None]
    return h @ W + b

if __name__ == "__main__":
    import jax
    _d = setup_inputs()
    print(jax.jit(kernel)(*tuple(_d.values())))

</pallas_src>

<mosaic_0001>
#map = affine_map<(d0, d1) -> (0, 0)>
#map1 = affine_map<(d0, d1) -> (0)>
#map2 = affine_map<(d0, d1) -> (0, 0, 0)>
module attributes {stable_mosaic.version = 14 : i64} {
  func.func @_agg_body(%arg0: i32, %arg1: i32, %arg2: memref<10000x128xf32, #tpu.memory_space<hbm>>, %arg3: memref<320000xi32, #tpu.memory_space<hbm>>, %arg4: memref<320000xi32, #tpu.memory_space<hbm>>, %arg5: memref<640x128xf32, #tpu.memory_space<hbm>>, %arg6: memref<2x10240x128xf32, #tpu.memory_space<hbm>>, %arg7: memref<10240x128xf32, #tpu.memory_space<vmem_shared>>, %arg8: memref<128xi32, #tpu.memory_space<vmem>>, %arg9: memref<128xi32, #tpu.memory_space<vmem>>, %arg10: memref<128xi32, #tpu.memory_space<vmem>>, %arg11: memref<128xi32, #tpu.memory_space<vmem>>, %arg12: memref<128x128xf32, #tpu.memory_space<vmem>>, %arg13: memref<128x128xf32, #tpu.memory_space<vmem>>, %arg14: memref<!tpu.dma_semaphore, #tpu.memory_space<semaphore_mem>>, %arg15: memref<!tpu.dma_semaphore, #tpu.memory_space<semaphore_mem>>, %arg16: memref<!tpu.dma_semaphore, #tpu.memory_space<semaphore_mem>>, %arg17: memref<!tpu.dma_semaphore, #tpu.memory_space<semaphore_mem>>) attributes {dimension_semantics = [#tpu.dimension_semantics<core_parallel>, #tpu.dimension_semantics<subcore_parallel>], iteration_bounds = array<i64: 2, 16>, scalar_prefetch = 0 : i64, scratch_operands = 11 : i64, tpu.core_type = #tpu.core_type<sc_vector_subcore>, window_params = [{transform_indices = #map}, {transform_indices = #map1}, {transform_indices = #map1}, {transform_indices = #map}, {transform_indices = #map2}]} {
    %mul3A = arith.constant 640 : i32
    %mul3A_0 = arith.muli %arg1, %mul3A : i32
    %mul3A_1 = arith.constant 16 : i32
    %mul3A_2 = arith.muli %arg0, %mul3A_1 : i32
    %add3A = arith.addi %mul3A_2, %arg1 : i32
    %mul3A_3 = arith.constant 10000 : i32
    %mul3A_4 = arith.muli %add3A, %mul3A_3 : i32
    "tpu.region"() ({
      %run_scoped3A = tpu.sem_alloc : memref<!tpu.dma_semaphore, #tpu.memory_space<semaphore_mem>>
      %dma_start3A_46 = arith.constant 0 : i32
      %dma_start3A_47 = tpu.memref_slice %arg7[%mul3A_0, %dma_start3A_46] : memref<10240x128xf32, #tpu.memory_space<vmem_shared>> -> memref<640x128xf32, #tpu.memory_space<vmem_shared>>
      tpu.enqueue_dma source(%arg5 : memref<640x128xf32, #tpu.memory_space<hbm>>) target(%dma_start3A_47 : memref<640x128xf32, #tpu.memory_space<vmem_shared>>) target_semaphore(%run_scoped3A : memref<!tpu.dma_semaphore, #tpu.memory_space<semaphore_mem>>)
      %dma_wait3A_48 = arith.constant 0 : i32
      %dma_wait3A_49 = tpu.memref_slice %arg7[%mul3A_0, %dma_wait3A_48] : memref<10240x128xf32, #tpu.memory_space<vmem_shared>> -> memref<640x128xf32, #tpu.memory_space<vmem_shared>>
      tpu.wait_dma2 semaphore(%run_scoped3A : memref<!tpu.dma_semaphore, #tpu.memory_space<semaphore_mem>>) src(%arg5 : memref<640x128xf32, #tpu.memory_space<hbm>>) dst(%dma_wait3A_49 : memref<640x128xf32, #tpu.memory_space<vmem_shared>>)
      tpu.yield
    }) : () -> ()
    %barrier3A = arith.constant 0 : index
    tpu.barrier barrier_id(%barrier3A)
    %add3A_5 = arith.constant 0 : i32
    %add3A_6 = arith.addi %mul3A_4, %add3A_5 : i32
    %dma_start3A = tpu.memref_slice %arg3[%add3A_6] : memref<320000xi32, #tpu.memory_space<hbm>> -> memref<128xi32, #tpu.memory_space<hbm>>
    %dma_start3A_7 = tpu.memref_slice %arg3[%add3A_6] : memref<320000xi32, #tpu.memory_space<hbm>> -> memref<128xi32, #tpu.memory_space<hbm>>
    tpu.enqueue_dma source(%dma_start3A_7 : memref<128xi32, #tpu.memory_space<hbm>>) target(%arg8 : memref<128xi32, #tpu.memory_space<vmem>>) target_semaphore(%arg14 : memref<!tpu.dma_semaphore, #tpu.memory_space<semaphore_mem>>)
    %add3A_8 = arith.constant 0 : i32
    %add3A_9 = arith.addi %mul3A_4, %add3A_8 : i32
    %dma_start3A_10 = tpu.memref_slice %arg4[%add3A_9] : memref<320000xi32, #tpu.memory_space<hbm>> -> memref<128xi32, #tpu.memory_space<hbm>>
    %dma_start3A_11 = tpu.memref_slice %arg4[%add3A_9] : memref<320000xi32, #tpu.memory_space<hbm>> -> memref<128xi32, #tpu.memory_space<hbm>>
    tpu.enqueue_dma source(%dma_start3A_11 : memref<128xi32, #tpu.memory_space<hbm>>) target(%arg9 : memref<128xi32, #tpu.memory_space<vmem>>) target_semaphore(%arg14 : memref<!tpu.dma_semaphore, #tpu.memory_space<semaphore_mem>>)
    %add3A_12 = arith.constant 128 : i32
    %add3A_13 = arith.addi %mul3A_4, %add3A_12 : i32
    %dma_start3A_14 = tpu.memref_slice %arg3[%add3A_13] : memref<320000xi32, #tpu.memory_space<hbm>> -> memref<128xi32, #tpu.memory_space<hbm>>
    %dma_start3A_15 = tpu.memref_slice %arg3[%add3A_13] : memref<320000xi32, #tpu.memory_space<hbm>> -> memref<128xi32, #tpu.memory_space<hbm>>
    tpu.enqueue_dma source(%dma_start3A_15 : memref<128xi32, #tpu.memory_space<hbm>>) target(%arg10 : memref<128xi32, #tpu.memory_space<vmem>>) target_semaphore(%arg15 : memref<!tpu.dma_semaphore, #tpu.memory_space<semaphore_mem>>)
    %add3A_16 = arith.constant 128 : i32
    %add3A_17 = arith.addi %mul3A_4, %add3A_16 : i32
    %dma_start3A_18 = tpu.memref_slice %arg4[%add3A_17] : memref<320000xi32, #tpu.memory_space<hbm>> -> memref<128xi32, #tpu.memory_space<hbm>>
    %dma_start3A_19 = tpu.memref_slice %arg4[%add3A_17] : memref<320000xi32, #tpu.memory_space<hbm>> -> memref<128xi32, #tpu.memory_space<hbm>>
    tpu.enqueue_dma source(%dma_start3A_19 : memref<128xi32, #tpu.memory_space<hbm>>) target(%arg11 : memref<128xi32, #tpu.memory_space<vmem>>) target_semaphore(%arg15 : memref<!tpu.dma_semaphore, #tpu.memory_space<semaphore_mem>>)
    %add3A_20 = arith.constant 0 : i32
    %add3A_21 = arith.addi %mul3A_4, %add3A_20 : i32
    %dma_wait3A = tpu.memref_slice %arg3[%add3A_21] : memref<320000xi32, #tpu.memory_space<hbm>> -> memref<128xi32, #tpu.memory_space<hbm>>
    %dma_wait3A_22 = tpu.memref_slice %arg3[%add3A_21] : memref<320000xi32, #tpu.memory_space<hbm>> -> memref<128xi32, #tpu.memory_space<hbm>>
    tpu.wait_dma2 semaphore(%arg14 : memref<!tpu.dma_semaphore, #tpu.memory_space<semaphore_mem>>) src(%dma_wait3A_22 : memref<128xi32, #tpu.memory_space<hbm>>) dst(%arg8 : memref<128xi32, #tpu.memory_space<vmem>>)
    %add3A_23 = arith.constant 0 : i32
    %add3A_24 = arith.addi %mul3A_4, %add3A_23 : i32
    %dma_wait3A_25 = tpu.memref_slice %arg4[%add3A_24] : memref<320000xi32, #tpu.memory_space<hbm>> -> memref<128xi32, #tpu.memory_space<hbm>>
    %dma_wait3A_26 = tpu.memref_slice %arg4[%add3A_24] : memref<320000xi32, #tpu.memory_space<hbm>> -> memref<128xi32, #tpu.memory_space<hbm>>
    tpu.wait_dma2 semaphore(%arg14 : memref<!tpu.dma_semaphore, #tpu.memory_space<semaphore_mem>>) src(%dma_wait3A_26 : memref<128xi32, #tpu.memory_space<hbm>>) dst(%arg9 : memref<128xi32, #tpu.memory_space<vmem>>)
    %dma_start3A_27 = arith.constant 0 : i32
    %dma_start3A_28 = arith.constant 0 : i32
    %dma_start3A_29 = tpu.memref_slice %arg2[%dma_start3A_27, %dma_start3A_28] : memref<10000x128xf32, #tpu.memory_space<hbm>> -> memref<10000x128xf32, #tpu.memory_space<hbm>>
    tpu.enqueue_indirect_dma source(%dma_start3A_29 : memref<10000x128xf32, #tpu.memory_space<hbm>>) target(%arg12 : memref<128x128xf32, #tpu.memory_space<vmem>>) offsets(%arg8 : memref<128xi32, #tpu.memory_space<vmem>>) semaphore(%arg16 : memref<!tpu.dma_semaphore, #tpu.memory_space<semaphore_mem>>)
    %add3A_30 = arith.constant 128 : i32
    %add3A_31 = arith.addi %mul3A_4, %add3A_30 : i32
    %dma_wait3A_32 = tpu.memref_slice %arg3[%add3A_31] : memref<320000xi32, #tpu.memory_space<hbm>> -> memref<128xi32, #tpu.memory_space<hbm>>
    %dma_wait3A_33 = tpu.memref_slice %arg3[%add3A_31] : memref<320000xi32, #tpu.memory_space<hbm>> -> memref<128xi32, #tpu.memory_space<hbm>>
    tpu.wait_dma2 semaphore(%arg15 : memref<!tpu.dma_semaphore, #tpu.memory_space<semaphore_mem>>) src(%dma_wait3A_33 : memref<128xi32, #tpu.memory_space<hbm>>) dst(%arg10 : memref<128xi32, #tpu.memory_space<vmem>>)
    %add3A_34 = arith.constant 128 : i32
    %add3A_35 = arith.addi %mul3A_4, %add3A_34 : i32
    %dma_wait3A_36 = tpu.memref_slice %arg4[%add3A_35] : memref<320000xi32, #tpu.memory_space<hbm>> -> memref<128xi32, #tpu.memory_space<hbm>>
    %dma_wait3A_37 = tpu.memref_slice %arg4[%add3A_35] : memref<320000xi32, #tpu.memory_space<hbm>> -> memref<128xi32, #tpu.memory_space<hbm>>
    tpu.wait_dma2 semaphore(%arg15 : memref<!tpu.dma_semaphore, #tpu.memory_space<semaphore_mem>>) src(%dma_wait3A_37 : memref<128xi32, #tpu.memory_space<hbm>>) dst(%arg11 : memref<128xi32, #tpu.memory_space<vmem>>)
    %scan3A = arith.constant 0 : i32
    %scan3A_38 = arith.constant 0 : i32
    %scan3A_39 = arith.constant 39 : i32
    %scan3A_40 = arith.addi %scan3A_38, %scan3A_39 : i32
    %scan3A_41 = arith.constant 1 : i32
    scf.for %scan3A_46 = %scan3A_38 to %scan3A_40 step %scan3A_41  : i32 {
      %mul3A_47 = arith.constant 2 : i32
      %mul3A_48 = arith.muli %mul3A_47, %scan3A_46 : i32
      %dma_wait3A_49 = arith.constant 0 : i32
      %dma_wait3A_50 = arith.constant 0 : i32
      %dma_wait3A_51 = tpu.memref_slice %arg2[%dma_wait3A_49, %dma_wait3A_50] : memref<10000x128xf32, #tpu.memory_space<hbm>> -> memref<10000x128xf32, #tpu.memory_space<hbm>>
      tpu.wait_indirect_dma semaphore(%arg16 : memref<!tpu.dma_semaphore, #tpu.memory_space<semaphore_mem>>) src(%dma_wait3A_51 : memref<10000x128xf32, #tpu.memory_space<hbm>>) dst(%arg12 : memref<128x128xf32, #tpu.memory_space<vmem>>)
      %dma_start3A_52 = arith.constant 0 : i32
      %dma_start3A_53 = arith.constant 0 : i32
      %dma_start3A_54 = tpu.memref_slice %arg2[%dma_start3A_52, %dma_start3A_53] : memref<10000x128xf32, #tpu.memory_space<hbm>> -> memref<10000x128xf32, #tpu.memory_space<hbm>>
      tpu.enqueue_indirect_dma source(%dma_start3A_54 : memref<10000x128xf32, #tpu.memory_space<hbm>>) target(%arg13 : memref<128x128xf32, #tpu.memory_space<vmem>>) offsets(%arg10 : memref<128xi32, #tpu.memory_space<vmem>>) semaphore(%arg17 : memref<!tpu.dma_semaphore, #tpu.memory_space<semaphore_mem>>)
      "tpu.region"() ({
        %run_scoped3A = tpu.sem_alloc : memref<!tpu.dma_semaphore, #tpu.memory_space<semaphore_mem>>
        %dma_start3A_70 = arith.constant 0 : i32
        %dma_start3A_71 = arith.constant 0 : i32
        %dma_start3A_72 = tpu.memref_slice %arg7[%dma_start3A_70, %dma_start3A_71] : memref<10240x128xf32, #tpu.memory_space<vmem_shared>> -> memref<10240x128xf32, #tpu.memory_space<vmem_shared>>
        tpu.enqueue_indirect_dma source(%arg12 : memref<128x128xf32, #tpu.memory_space<vmem>>) target(%dma_start3A_72 : memref<10240x128xf32, #tpu.memory_space<vmem_shared>>) offsets(%arg9 : memref<128xi32, #tpu.memory_space<vmem>>) semaphore(%run_scoped3A : memref<!tpu.dma_semaphore, #tpu.memory_space<semaphore_mem>>) {add = true}
        %dma_wait3A_73 = arith.constant 0 : i32
        %dma_wait3A_74 = arith.constant 0 : i32
        %dma_wait3A_75 = tpu.memref_slice %arg7[%dma_wait3A_73, %dma_wait3A_74] : memref<10240x128xf32, #tpu.memory_space<vmem_shared>> -> memref<10240x128xf32, #tpu.memory_space<vmem_shared>>
        tpu.wait_indirect_dma semaphore(%run_scoped3A : memref<!tpu.dma_semaphore, #tpu.memory_space<semaphore_mem>>) src(%arg12 : memref<128x128xf32, #tpu.memory_space<vmem>>) dst(%dma_wait3A_75 : memref<10240x128xf32, #tpu.memory_space<vmem_shared>>)
        tpu.yield
      }) : () -> ()
      %lt3A = arith.constant 38 : i32
      %lt3A_55 = arith.cmpi slt, %scan3A_46, %lt3A : i32
      %convert_element_type3A = arith.extui %lt3A_55 : i1 to i32
      %cond3A = arith.constant 0 : i32
      %cond3A_56 = arith.cmpi ne, %convert_element_type3A, %cond3A : i32
      scf.if %cond3A_56 {
        %add3A_70 = arith.constant 2 : i32
        %add3A_71 = arith.addi %mul3A_48, %add3A_70 : i32
        %mul3A_72 = arith.constant 128 : i32
        %mul3A_73 = arith.muli %add3A_71, %mul3A_72 : i32
        %add3A_74 = arith.addi %mul3A_4, %mul3A_73 : i32
        %dma_start3A_75 = tpu.memref_slice %arg3[%add3A_74] : memref<320000xi32, #tpu.memory_space<hbm>> -> memref<128xi32, #tpu.memory_space<hbm>>
        %dma_start3A_76 = tpu.memref_slice %arg3[%add3A_74] : memref<320000xi32, #tpu.memory_space<hbm>> -> memref<128xi32, #tpu.memory_space<hbm>>
        tpu.enqueue_dma source(%dma_start3A_76 : memref<128xi32, #tpu.memory_space<hbm>>) target(%arg8 : memref<128xi32, #tpu.memory_space<vmem>>) target_semaphore(%arg14 : memref<!tpu.dma_semaphore, #tpu.memory_space<semaphore_mem>>)
        %mul3A_77 = arith.constant 128 : i32
        %mul3A_78 = arith.muli %add3A_71, %mul3A_77 : i32
        %add3A_79 = arith.addi %mul3A_4, %mul3A_78 : i32
        %dma_start3A_80 = tpu.memref_slice %arg4[%add3A_79] : memref<320000xi32, #tpu.memory_space<hbm>> -> memref<128xi32, #tpu.memory_space<hbm>>
        %dma_start3A_81 = tpu.memref_slice %arg4[%add3A_79] : memref<320000xi32, #tpu.memory_space<hbm>> -> memref<128xi32, #tpu.memory_space<hbm>>
        tpu.enqueue_dma source(%dma_start3A_81 : memref<128xi32, #tpu.memory_space<hbm>>) target(%arg9 : memref<128xi32, #tpu.memory_space<vmem>>) target_semaphore(%arg14 : memref<!tpu.dma_semaphore, #tpu.memory_space<semaphore_mem>>)
      } else {
      }
      %dma_wait3A_57 = arith.constant 0 : i32
      %dma_wait3A_58 = arith.constant 0 : i32
      %dma_wait3A_59 = tpu.memref_slice %arg2[%dma_wait3A_57, %dma_wait3A_58] : memref<10000x128xf32, #tpu.memory_space<hbm>> -> memref<10000x128xf32, #tpu.memory_space<hbm>>
      tpu.wait_indirect_dma semaphore(%arg17 : memref<!tpu.dma_semaphore, #tpu.memory_space<semaphore_mem>>) src(%dma_wait3A_59 : memref<10000x128xf32, #tpu.memory_space<hbm>>) dst(%arg13 : memref<128x128xf32, #tpu.memory_space<vmem>>)
      %lt3A_60 = arith.constant 38 : i32
      %lt3A_61 = arith.cmpi slt, %scan3A_46, %lt3A_60 : i32
      %convert_element_type3A_62 = arith.extui %lt3A_61 : i1 to i32
      %cond3A_63 = arith.constant 0 : i32
      %cond3A_64 = arith.cmpi ne, %convert_element_type3A_62, %cond3A_63 : i32
      scf.if %cond3A_64 {
        %add3A_70 = arith.constant 2 : i32
        %add3A_71 = arith.addi %mul3A_48, %add3A_70 : i32
        %mul3A_72 = arith.constant 128 : i32
        %mul3A_73 = arith.muli %add3A_71, %mul3A_72 : i32
        %add3A_74 = arith.addi %mul3A_4, %mul3A_73 : i32
        %dma_wait3A_75 = tpu.memref_slice %arg3[%add3A_74] : memref<320000xi32, #tpu.memory_space<hbm>> -> memref<128xi32, #tpu.memory_space<hbm>>
        %dma_wait3A_76 = tpu.memref_slice %arg3[%add3A_74] : memref<320000xi32, #tpu.memory_space<hbm>> -> memref<128xi32, #tpu.memory_space<hbm>>
        tpu.wait_dma2 semaphore(%arg14 : memref<!tpu.dma_semaphore, #tpu.memory_space<semaphore_mem>>) src(%dma_wait3A_76 : memref<128xi32, #tpu.memory_space<hbm>>) dst(%arg8 : memref<128xi32, #tpu.memory_space<vmem>>)
        %mul3A_77 = arith.constant 128 : i32
        %mul3A_78 = arith.muli %add3A_71, %mul3A_77 : i32
        %add3A_79 = arith.addi %mul3A_4, %mul3A_78 : i32
        %dma_wait3A_80 = tpu.memref_slice %arg4[%add3A_79] : memref<320000xi32, #tpu.memory_space<hbm>> -> memref<128xi32, #tpu.memory_space<hbm>>
        %dma_wait3A_81 = tpu.memref_slice %arg4[%add3A_79] : memref<320000xi32, #tpu.memory_space<hbm>> -> memref<128xi32, #tpu.memory_space<hbm>>
        tpu.wait_dma2 semaphore(%arg14 : memref<!tpu.dma_semaphore, #tpu.memory_space<semaphore_mem>>) src(%dma_wait3A_81 : memref<128xi32, #tpu.memory_space<hbm>>) dst(%arg9 : memref<128xi32, #tpu.memory_space<vmem>>)
        %dma_start3A_82 = arith.constant 0 : i32
        %dma_start3A_83 = arith.constant 0 : i32
        %dma_start3A_84 = tpu.memref_slice %arg2[%dma_start3A_82, %dma_start3A_83] : memref<10000x128xf32, #tpu.memory_space<hbm>> -> memref<10000x128xf32, #tpu.memory_space<hbm>>
        tpu.enqueue_indirect_dma source(%dma_start3A_84 : memref<10000x128xf32, #tpu.memory_space<hbm>>) target(%arg12 : memref<128x128xf32, #tpu.memory_space<vmem>>) offsets(%arg8 : memref<128xi32, #tpu.memory_space<vmem>>) semaphore(%arg16 : memref<!tpu.dma_semaphore, #tpu.memory_space<semaphore_mem>>)
      } else {
      }
      "tpu.region"() ({
        %run_scoped3A = tpu.sem_alloc : memref<!tpu.dma_semaphore, #tpu.memory_space<semaphore_mem>>
        %dma_start3A_70 = arith.constant 0 : i32
        %dma_start3A_71 = arith.constant 0 : i32
        %dma_start3A_72 = tpu.memref_slice %arg7[%dma_start3A_70, %dma_start3A_71] : memref<10240x128xf32, #tpu.memory_space<vmem_shared>> -> memref<10240x128xf32, #tpu.memory_space<vmem_shared>>
        tpu.enqueue_indirect_dma source(%arg13 : memref<128x128xf32, #tpu.memory_space<vmem>>) target(%dma_start3A_72 : memref<10240x128xf32, #tpu.memory_space<vmem_shared>>) offsets(%arg11 : memref<128xi32, #tpu.memory_space<vmem>>) semaphore(%run_scoped3A : memref<!tpu.dma_semaphore, #tpu.memory_space<semaphore_mem>>) {add = true}
        %dma_wait3A_73 = arith.constant 0 : i32
        %dma_wait3A_74 = arith.constant 0 : i32
        %dma_wait3A_75 = tpu.memref_slice %arg7[%dma_wait3A_73, %dma_wait3A_74] : memref<10240x128xf32, #tpu.memory_space<vmem_shared>> -> memref<10240x128xf32, #tpu.memory_space<vmem_shared>>
        tpu.wait_indirect_dma semaphore(%run_scoped3A : memref<!tpu.dma_semaphore, #tpu.memory_space<semaphore_mem>>) src(%arg13 : memref<128x128xf32, #tpu.memory_space<vmem>>) dst(%dma_wait3A_75 : memref<10240x128xf32, #tpu.memory_space<vmem_shared>>)
        tpu.yield
      }) : () -> ()
      %lt3A_65 = arith.constant 38 : i32
      %lt3A_66 = arith.cmpi slt, %scan3A_46, %lt3A_65 : i32
      %convert_element_type3A_67 = arith.extui %lt3A_66 : i1 to i32
      %cond3A_68 = arith.constant 0 : i32
      %cond3A_69 = arith.cmpi ne, %convert_element_type3A_67, %cond3A_68 : i32
      scf.if %cond3A_69 {
        %add3A_70 = arith.constant 3 : i32
        %add3A_71 = arith.addi %mul3A_48, %add3A_70 : i32
        %mul3A_72 = arith.constant 128 : i32
        %mul3A_73 = arith.muli %add3A_71, %mul3A_72 : i32
        %add3A_74 = arith.addi %mul3A_4, %mul3A_73 : i32
        %dma_start3A_75 = tpu.memref_slice %arg3[%add3A_74] : memref<320000xi32, #tpu.memory_space<hbm>> -> memref<128xi32, #tpu.memory_space<hbm>>
        %dma_start3A_76 = tpu.memref_slice %arg3[%add3A_74] : memref<320000xi32, #tpu.memory_space<hbm>> -> memref<128xi32, #tpu.memory_space<hbm>>
        tpu.enqueue_dma source(%dma_start3A_76 : memref<128xi32, #tpu.memory_space<hbm>>) target(%arg10 : memref<128xi32, #tpu.memory_space<vmem>>) target_semaphore(%arg15 : memref<!tpu.dma_semaphore, #tpu.memory_space<semaphore_mem>>)
        %mul3A_77 = arith.constant 128 : i32
        %mul3A_78 = arith.muli %add3A_71, %mul3A_77 : i32
        %add3A_79 = arith.addi %mul3A_4, %mul3A_78 : i32
        %dma_start3A_80 = tpu.memref_slice %arg4[%add3A_79] : memref<320000xi32, #tpu.memory_space<hbm>> -> memref<128xi32, #tpu.memory_space<hbm>>
        %dma_start3A_81 = tpu.memref_slice %arg4[%add3A_79] : memref<320000xi32, #tpu.memory_space<hbm>> -> memref<128xi32, #tpu.memory_space<hbm>>
        tpu.enqueue_dma source(%dma_start3A_81 : memref<128xi32, #tpu.memory_space<hbm>>) target(%arg11 : memref<128xi32, #tpu.memory_space<vmem>>) target_semaphore(%arg15 : memref<!tpu.dma_semaphore, #tpu.memory_space<semaphore_mem>>)
        %add3A_82 = arith.constant 3 : i32
        %add3A_83 = arith.addi %mul3A_48, %add3A_82 : i32
        %mul3A_84 = arith.constant 128 : i32
        %mul3A_85 = arith.muli %add3A_83, %mul3A_84 : i32
        %add3A_86 = arith.addi %mul3A_4, %mul3A_85 : i32
        %dma_wait3A_87 = tpu.memref_slice %arg3[%add3A_86] : memref<320000xi32, #tpu.memory_space<hbm>> -> memref<128xi32, #tpu.memory_space<hbm>>
        %dma_wait3A_88 = tpu.memref_slice %arg3[%add3A_86] : memref<320000xi32, #tpu.memory_space<hbm>> -> memref<128xi32, #tpu.memory_space<hbm>>
        tpu.wait_dma2 semaphore(%arg15 : memref<!tpu.dma_semaphore, #tpu.memory_space<semaphore_mem>>) src(%dma_wait3A_88 : memref<128xi32, #tpu.memory_space<hbm>>) dst(%arg10 : memref<128xi32, #tpu.memory_space<vmem>>)
        %mul3A_89 = arith.constant 128 : i32
        %mul3A_90 = arith.muli %add3A_83, %mul3A_89 : i32
        %add3A_91 = arith.addi %mul3A_4, %mul3A_90 : i32
        %dma_wait3A_92 = tpu.memref_slice %arg4[%add3A_91] : memref<320000xi32, #tpu.memory_space<hbm>> -> memref<128xi32, #tpu.memory_space<hbm>>
        %dma_wait3A_93 = tpu.memref_slice %arg4[%add3A_91] : memref<320000xi32, #tpu.memory_space<hbm>> -> memref<128xi32, #tpu.memory_space<hbm>>
        tpu.wait_dma2 semaphore(%arg15 : memref<!tpu.dma_semaphore, #tpu.memory_space<semaphore_mem>>) src(%dma_wait3A_93 : memref<128xi32, #tpu.memory_space<hbm>>) dst(%arg11 : memref<128xi32, #tpu.memory_space<vmem>>)
      } else {
      }
    }
    %scan3A_42 = arith.constant 39 : i32
    %add3A_43 = arith.constant 9984 : i32
    %add3A_44 = arith.addi %mul3A_4, %add3A_43 : i32
    "tpu.region"() ({
      %run_scoped3A = tpu.sem_alloc : memref<!tpu.dma_semaphore, #tpu.memory_space<semaphore_mem>>
      %dma_start3A_46 = arith.constant 0 : i32
      %dma_start3A_47 = tpu.memref_slice %arg8[%dma_start3A_46] : memref<128xi32, #tpu.memory_space<vmem>> -> memref<16xi32, #tpu.memory_space<vmem>>
      %dma_start3A_48 = tpu.memref_slice %arg3[%add3A_44] : memref<320000xi32, #tpu.memory_space<hbm>> -> memref<16xi32, #tpu.memory_space<hbm>>
      %dma_start3A_49 = arith.constant 0 : i32
      %dma_start3A_50 = tpu.memref_slice %arg8[%dma_start3A_49] : memref<128xi32, #tpu.memory_space<vmem>> -> memref<16xi32, #tpu.memory_space<vmem>>
      %dma_start3A_51 = tpu.memref_slice %arg3[%add3A_44] : memref<320000xi32, #tpu.memory_space<hbm>> -> memref<16xi32, #tpu.memory_space<hbm>>
      tpu.enqueue_dma source(%dma_start3A_51 : memref<16xi32, #tpu.memory_space<hbm>>) target(%dma_start3A_50 : memref<16xi32, #tpu.memory_space<vmem>>) target_semaphore(%run_scoped3A : memref<!tpu.dma_semaphore, #tpu.memory_space<semaphore_mem>>)
      %dma_wait3A_52 = arith.constant 0 : i32
      %dma_wait3A_53 = tpu.memref_slice %arg8[%dma_wait3A_52] : memref<128xi32, #tpu.memory_space<vmem>> -> memref<16xi32, #tpu.memory_space<vmem>>
      %dma_wait3A_54 = tpu.memref_slice %arg3[%add3A_44] : memref<320000xi32, #tpu.memory_space<hbm>> -> memref<16xi32, #tpu.memory_space<hbm>>
      %dma_wait3A_55 = arith.constant 0 : i32
      %dma_wait3A_56 = tpu.memref_slice %arg8[%dma_wait3A_55] : memref<128xi32, #tpu.memory_space<vmem>> -> memref<16xi32, #tpu.memory_space<vmem>>
      %dma_wait3A_57 = tpu.memref_slice %arg3[%add3A_44] : memref<320000xi32, #tpu.memory_space<hbm>> -> memref<16xi32, #tpu.memory_space<hbm>>
      tpu.wait_dma2 semaphore(%run_scoped3A : memref<!tpu.dma_semaphore, #tpu.memory_space<semaphore_mem>>) src(%dma_wait3A_57 : memref<16xi32, #tpu.memory_space<hbm>>) dst(%dma_wait3A_56 : memref<16xi32, #tpu.memory_space<vmem>>)
      tpu.yield
    }) : () -> ()
    "tpu.region"() ({
      %run_scoped3A = tpu.sem_alloc : memref<!tpu.dma_semaphore, #tpu.memory_space<semaphore_mem>>
      %dma_start3A_46 = arith.constant 0 : i32
      %dma_start3A_47 = tpu.memref_slice %arg9[%dma_start3A_46] : memref<128xi32, #tpu.memory_space<vmem>> -> memref<16xi32, #tpu.memory_space<vmem>>
      %dma_start3A_48 = tpu.memref_slice %arg4[%add3A_44] : memref<320000xi32, #tpu.memory_space<hbm>> -> memref<16xi32, #tpu.memory_space<hbm>>
      %dma_start3A_49 = arith.constant 0 : i32
      %dma_start3A_50 = tpu.memref_slice %arg9[%dma_start3A_49] : memref<128xi32, #tpu.memory_space<vmem>> -> memref<16xi32, #tpu.memory_space<vmem>>
      %dma_start3A_51 = tpu.memref_slice %arg4[%add3A_44] : memref<320000xi32, #tpu.memory_space<hbm>> -> memref<16xi32, #tpu.memory_space<hbm>>
      tpu.enqueue_dma source(%dma_start3A_51 : memref<16xi32, #tpu.memory_space<hbm>>) target(%dma_start3A_50 : memref<16xi32, #tpu.memory_space<vmem>>) target_semaphore(%run_scoped3A : memref<!tpu.dma_semaphore, #tpu.memory_space<semaphore_mem>>)
      %dma_wait3A_52 = arith.constant 0 : i32
      %dma_wait3A_53 = tpu.memref_slice %arg9[%dma_wait3A_52] : memref<128xi32, #tpu.memory_space<vmem>> -> memref<16xi32, #tpu.memory_space<vmem>>
      %dma_wait3A_54 = tpu.memref_slice %arg4[%add3A_44] : memref<320000xi32, #tpu.memory_space<hbm>> -> memref<16xi32, #tpu.memory_space<hbm>>
      %dma_wait3A_55 = arith.constant 0 : i32
      %dma_wait3A_56 = tpu.memref_slice %arg9[%dma_wait3A_55] : memref<128xi32, #tpu.memory_space<vmem>> -> memref<16xi32, #tpu.memory_space<vmem>>
      %dma_wait3A_57 = tpu.memref_slice %arg4[%add3A_44] : memref<320000xi32, #tpu.memory_space<hbm>> -> memref<16xi32, #tpu.memory_space<hbm>>
      tpu.wait_dma2 semaphore(%run_scoped3A : memref<!tpu.dma_semaphore, #tpu.memory_space<semaphore_mem>>) src(%dma_wait3A_57 : memref<16xi32, #tpu.memory_space<hbm>>) dst(%dma_wait3A_56 : memref<16xi32, #tpu.memory_space<vmem>>)
      tpu.yield
    }) : () -> ()
    "tpu.region"() ({
      %run_scoped3A = tpu.sem_alloc : memref<!tpu.dma_semaphore, #tpu.memory_space<semaphore_mem>>
      %dma_start3A_46 = arith.constant 0 : i32
      %dma_start3A_47 = arith.constant 0 : i32
      %dma_start3A_48 = tpu.memref_slice %arg12[%dma_start3A_46, %dma_start3A_47] : memref<128x128xf32, #tpu.memory_space<vmem>> -> memref<16x128xf32, #tpu.memory_space<vmem>>
      %dma_start3A_49 = arith.constant 0 : i32
      %dma_start3A_50 = tpu.memref_slice %arg8[%dma_start3A_49] : memref<128xi32, #tpu.memory_space<vmem>> -> memref<16xi32, #tpu.memory_space<vmem>>
      %dma_start3A_51 = arith.constant 0 : i32
      %dma_start3A_52 = arith.constant 0 : i32
      %dma_start3A_53 = tpu.memref_slice %arg2[%dma_start3A_51, %dma_start3A_52] : memref<10000x128xf32, #tpu.memory_space<hbm>> -> memref<10000x128xf32, #tpu.memory_space<hbm>>
      tpu.enqueue_indirect_dma source(%dma_start3A_53 : memref<10000x128xf32, #tpu.memory_space<hbm>>) target(%dma_start3A_48 : memref<16x128xf32, #tpu.memory_space<vmem>>) offsets(%dma_start3A_50 : memref<16xi32, #tpu.memory_space<vmem>>) semaphore(%run_scoped3A : memref<!tpu.dma_semaphore, #tpu.memory_space<semaphore_mem>>)
      %dma_wait3A_54 = arith.constant 0 : i32
      %dma_wait3A_55 = arith.constant 0 : i32
      %dma_wait3A_56 = tpu.memref_slice %arg12[%dma_wait3A_54, %dma_wait3A_55] : memref<128x128xf32, #tpu.memory_space<vmem>> -> memref<16x128xf32, #tpu.memory_space<vmem>>
      %dma_wait3A_57 = arith.constant 0 : i32
      %dma_wait3A_58 = tpu.memref_slice %arg8[%dma_wait3A_57] : memref<128xi32, #tpu.memory_space<vmem>> -> memref<16xi32, #tpu.memory_space<vmem>>
      %dma_wait3A_59 = arith.constant 0 : i32
      %dma_wait3A_60 = arith.constant 0 : i32
      %dma_wait3A_61 = tpu.memref_slice %arg2[%dma_wait3A_59, %dma_wait3A_60] : memref<10000x128xf32, #tpu.memory_space<hbm>> -> memref<10000x128xf32, #tpu.memory_space<hbm>>
      tpu.wait_indirect_dma semaphore(%run_scoped3A : memref<!tpu.dma_semaphore, #tpu.memory_space<semaphore_mem>>) src(%dma_wait3A_61 : memref<10000x128xf32, #tpu.memory_space<hbm>>) dst(%dma_wait3A_56 : memref<16x128xf32, #tpu.memory_space<vmem>>)
      tpu.yield
    }) : () -> ()
    "tpu.region"() ({
      %run_scoped3A = tpu.sem_alloc : memref<!tpu.dma_semaphore, #tpu.memory_space<semaphore_mem>>
      %dma_start3A_46 = arith.constant 0 : i32
      %dma_start3A_47 = arith.constant 0 : i32
      %dma_start3A_48 = tpu.memref_slice %arg12[%dma_start3A_46, %dma_start3A_47] : memref<128x128xf32, #tpu.memory_space<vmem>> -> memref<16x128xf32, #tpu.memory_space<vmem>>
      %dma_start3A_49 = arith.constant 0 : i32
      %dma_start3A_50 = tpu.memref_slice %arg9[%dma_start3A_49] : memref<128xi32, #tpu.memory_space<vmem>> -> memref<16xi32, #tpu.memory_space<vmem>>
      %dma_start3A_51 = arith.constant 0 : i32
      %dma_start3A_52 = arith.constant 0 : i32
      %dma_start3A_53 = tpu.memref_slice %arg7[%dma_start3A_51, %dma_start3A_52] : memref<10240x128xf32, #tpu.memory_space<vmem_shared>> -> memref<10240x128xf32, #tpu.memory_space<vmem_shared>>
      tpu.enqueue_indirect_dma source(%dma_start3A_48 : memref<16x128xf32, #tpu.memory_space<vmem>>) target(%dma_start3A_53 : memref<10240x128xf32, #tpu.memory_space<vmem_shared>>) offsets(%dma_start3A_50 : memref<16xi32, #tpu.memory_space<vmem>>) semaphore(%run_scoped3A : memref<!tpu.dma_semaphore, #tpu.memory_space<semaphore_mem>>) {add = true}
      %dma_wait3A_54 = arith.constant 0 : i32
      %dma_wait3A_55 = arith.constant 0 : i32
      %dma_wait3A_56 = tpu.memref_slice %arg12[%dma_wait3A_54, %dma_wait3A_55] : memref<128x128xf32, #tpu.memory_space<vmem>> -> memref<16x128xf32, #tpu.memory_space<vmem>>
      %dma_wait3A_57 = arith.constant 0 : i32
      %dma_wait3A_58 = tpu.memref_slice %arg9[%dma_wait3A_57] : memref<128xi32, #tpu.memory_space<vmem>> -> memref<16xi32, #tpu.memory_space<vmem>>
      %dma_wait3A_59 = arith.constant 0 : i32
      %dma_wait3A_60 = arith.constant 0 : i32
      %dma_wait3A_61 = tpu.memref_slice %arg7[%dma_wait3A_59, %dma_wait3A_60] : memref<10240x128xf32, #tpu.memory_space<vmem_shared>> -> memref<10240x128xf32, #tpu.memory_space<vmem_shared>>
      tpu.wait_indirect_dma semaphore(%run_scoped3A : memref<!tpu.dma_semaphore, #tpu.memory_space<semaphore_mem>>) src(%dma_wait3A_56 : memref<16x128xf32, #tpu.memory_space<vmem>>) dst(%dma_wait3A_61 : memref<10240x128xf32, #tpu.memory_space<vmem_shared>>)
      tpu.yield
    }) : () -> ()
    %barrier3A_45 = arith.constant 0 : index
    tpu.barrier barrier_id(%barrier3A_45)
    "tpu.region"() ({
      %run_scoped3A = tpu.sem_alloc : memref<!tpu.dma_semaphore, #tpu.memory_space<semaphore_mem>>
      %dma_start3A_46 = arith.constant 0 : i32
      %dma_start3A_47 = tpu.memref_slice %arg6[%arg0, %mul3A_0, %dma_start3A_46] : memref<2x10240x128xf32, #tpu.memory_space<hbm>> -> memref<1x640x128xf32, #tpu.memory_space<hbm>>
      %dma_start3A_48 = tpu.memref_squeeze %dma_start3A_47 : memref<1x640x128xf32, #tpu.memory_space<hbm>> -> memref<640x128xf32, #tpu.memory_space<hbm>>
      %dma_start3A_49 = arith.constant 0 : i32
      %dma_start3A_50 = tpu.memref_slice %arg7[%mul3A_0, %dma_start3A_49] : memref<10240x128xf32, #tpu.memory_space<vmem_shared>> -> memref<640x128xf32, #tpu.memory_space<vmem_shared>>
      tpu.enqueue_dma source(%dma_start3A_50 : memref<640x128xf32, #tpu.memory_space<vmem_shared>>) target(%dma_start3A_48 : memref<640x128xf32, #tpu.memory_space<hbm>>) target_semaphore(%run_scoped3A : memref<!tpu.dma_semaphore, #tpu.memory_space<semaphore_mem>>)
      %dma_wait3A_51 = arith.constant 0 : i32
      %dma_wait3A_52 = tpu.memref_slice %arg6[%arg0, %mul3A_0, %dma_wait3A_51] : memref<2x10240x128xf32, #tpu.memory_space<hbm>> -> memref<1x640x128xf32, #tpu.memory_space<hbm>>
      %dma_wait3A_53 = tpu.memref_squeeze %dma_wait3A_52 : memref<1x640x128xf32, #tpu.memory_space<hbm>> -> memref<640x128xf32, #tpu.memory_space<hbm>>
      %dma_wait3A_54 = arith.constant 0 : i32
      %dma_wait3A_55 = tpu.memref_slice %arg7[%mul3A_0, %dma_wait3A_54] : memref<10240x128xf32, #tpu.memory_space<vmem_shared>> -> memref<640x128xf32, #tpu.memory_space<vmem_shared>>
      tpu.wait_dma2 semaphore(%run_scoped3A : memref<!tpu.dma_semaphore, #tpu.memory_space<semaphore_mem>>) src(%dma_wait3A_55 : memref<640x128xf32, #tpu.memory_space<vmem_shared>>) dst(%dma_wait3A_53 : memref<640x128xf32, #tpu.memory_space<hbm>>)
      tpu.yield
    }) : () -> ()
    return
  }
}

#map = affine_map<(d0, d1) -> (0)>
module attributes {stable_mosaic.version = 14 : i64} {
  func.func @_hist_body(%arg0: i32, %arg1: i32, %arg2: memref<320000xi32, #tpu.memory_space<hbm>>, %arg3: memref<320000xi32, #tpu.memory_space<hbm>>, %arg4: memref<640xf32, #tpu.memory_space<hbm>>, %arg5: memref<128xf32, #tpu.memory_space<hbm>>, %arg6: memref<10240xf32, #tpu.memory_space<hbm>>, %arg7: memref<10240xf32, #tpu.memory_space<hbm>>, %arg8: memref<10240xf32, #tpu.memory_space<hbm>>, %arg9: memref<10240xf32, #tpu.memory_space<hbm>>, %arg10: memref<10240xf32, #tpu.memory_space<vmem_shared>>, %arg11: memref<10240xf32, #tpu.memory_space<vmem_shared>>, %arg12: memref<10000xi32, #tpu.memory_space<vmem>>, %arg13: memref<10000xi32, #tpu.memory_space<vmem>>, %arg14: memref<128xf32, #tpu.memory_space<vmem>>, %arg15: memref<!tpu.dma_semaphore, #tpu.memory_space<semaphore_mem>>, %arg16: memref<!tpu.dma_semaphore, #tpu.memory_space<semaphore_mem>>) attributes {dimension_semantics = [#tpu.dimension_semantics<core_parallel>, #tpu.dimension_semantics<subcore_parallel>], iteration_bounds = array<i64: 2, 16>, scalar_prefetch = 0 : i64, scratch_operands = 7 : i64, tpu.core_type = #tpu.core_type<sc_vector_subcore>, window_params = [{transform_indices = #map}, {transform_indices = #map}, {transform_indices = #map}, {transform_indices = #map}, {transform_indices = #map}, {transform_indices = #map}, {transform_indices = #map}, {transform_indices = #map}]} {
    %mul3A = arith.constant 640 : i32
    %mul3A_0 = arith.muli %arg1, %mul3A : i32
    %mul3A_1 = arith.constant 16 : i32
    %mul3A_2 = arith.muli %arg0, %mul3A_1 : i32
    %add3A = arith.addi %mul3A_2, %arg1 : i32
    %mul3A_3 = arith.constant 10000 : i32
    %mul3A_4 = arith.muli %add3A, %mul3A_3 : i32
    "tpu.region"() ({
      %run_scoped3A = tpu.sem_alloc : memref<!tpu.dma_semaphore, #tpu.memory_space<semaphore_mem>>
      %dma_start3A_88 = tpu.memref_slice %arg10[%mul3A_0] : memref<10240xf32, #tpu.memory_space<vmem_shared>> -> memref<640xf32, #tpu.memory_space<vmem_shared>>
      tpu.enqueue_dma source(%arg4 : memref<640xf32, #tpu.memory_space<hbm>>) target(%dma_start3A_88 : memref<640xf32, #tpu.memory_space<vmem_shared>>) target_semaphore(%run_scoped3A : memref<!tpu.dma_semaphore, #tpu.memory_space<semaphore_mem>>)
      %dma_wait3A_89 = tpu.memref_slice %arg10[%mul3A_0] : memref<10240xf32, #tpu.memory_space<vmem_shared>> -> memref<640xf32, #tpu.memory_space<vmem_shared>>
      tpu.wait_dma2 semaphore(%run_scoped3A : memref<!tpu.dma_semaphore, #tpu.memory_space<semaphore_mem>>) src(%arg4 : memref<640xf32, #tpu.memory_space<hbm>>) dst(%dma_wait3A_89 : memref<640xf32, #tpu.memory_space<vmem_shared>>)
      tpu.yield
    }) : () -> ()
    "tpu.region"() ({
      %run_scoped3A = tpu.sem_alloc : memref<!tpu.dma_semaphore, #tpu.memory_space<semaphore_mem>>
      %dma_start3A_88 = tpu.memref_slice %arg11[%mul3A_0] : memref<10240xf32, #tpu.memory_space<vmem_shared>> -> memref<640xf32, #tpu.memory_space<vmem_shared>>
      tpu.enqueue_dma source(%arg4 : memref<640xf32, #tpu.memory_space<hbm>>) target(%dma_start3A_88 : memref<640xf32, #tpu.memory_space<vmem_shared>>) target_semaphore(%run_scoped3A : memref<!tpu.dma_semaphore, #tpu.memory_space<semaphore_mem>>)
      %dma_wait3A_89 = tpu.memref_slice %arg11[%mul3A_0] : memref<10240xf32, #tpu.memory_space<vmem_shared>> -> memref<640xf32, #tpu.memory_space<vmem_shared>>
      tpu.wait_dma2 semaphore(%run_scoped3A : memref<!tpu.dma_semaphore, #tpu.memory_space<semaphore_mem>>) src(%arg4 : memref<640xf32, #tpu.memory_space<hbm>>) dst(%dma_wait3A_89 : memref<640xf32, #tpu.memory_space<vmem_shared>>)
      tpu.yield
    }) : () -> ()
    "tpu.region"() ({
      %run_scoped3A = tpu.sem_alloc : memref<!tpu.dma_semaphore, #tpu.memory_space<semaphore_mem>>
      %dma_start3A_88 = tpu.memref_slice %arg2[%mul3A_4] : memref<320000xi32, #tpu.memory_space<hbm>> -> memref<10000xi32, #tpu.memory_space<hbm>>
      %dma_start3A_89 = tpu.memref_slice %arg2[%mul3A_4] : memref<320000xi32, #tpu.memory_space<hbm>> -> memref<10000xi32, #tpu.memory_space<hbm>>
      tpu.enqueue_dma source(%dma_start3A_89 : memref<10000xi32, #tpu.memory_space<hbm>>) target(%arg12 : memref<10000xi32, #tpu.memory_space<vmem>>) target_semaphore(%run_scoped3A : memref<!tpu.dma_semaphore, #tpu.memory_space<semaphore_mem>>)
      %dma_wait3A_90 = tpu.memref_slice %arg2[%mul3A_4] : memref<320000xi32, #tpu.memory_space<hbm>> -> memref<10000xi32, #tpu.memory_space<hbm>>
      %dma_wait3A_91 = tpu.memref_slice %arg2[%mul3A_4] : memref<320000xi32, #tpu.memory_space<hbm>> -> memref<10000xi32, #tpu.memory_space<hbm>>
      tpu.wait_dma2 semaphore(%run_scoped3A : memref<!tpu.dma_semaphore, #tpu.memory_space<semaphore_mem>>) src(%dma_wait3A_91 : memref<10000xi32, #tpu.memory_space<hbm>>) dst(%arg12 : memref<10000xi32, #tpu.memory_space<vmem>>)
      tpu.yield
    }) : () -> ()
    "tpu.region"() ({
      %run_scoped3A = tpu.sem_alloc : memref<!tpu.dma_semaphore, #tpu.memory_space<semaphore_mem>>
      %dma_start3A_88 = tpu.memref_slice %arg3[%mul3A_4] : memref<320000xi32, #tpu.memory_space<hbm>> -> memref<10000xi32, #tpu.memory_space<hbm>>
      %dma_start3A_89 = tpu.memref_slice %arg3[%mul3A_4] : memref<320000xi32, #tpu.memory_space<hbm>> -> memref<10000xi32, #tpu.memory_space<hbm>>
      tpu.enqueue_dma source(%dma_start3A_89 : memref<10000xi32, #tpu.memory_space<hbm>>) target(%arg13 : memref<10000xi32, #tpu.memory_space<vmem>>) target_semaphore(%run_scoped3A : memref<!tpu.dma_semaphore, #tpu.memory_space<semaphore_mem>>)
      %dma_wait3A_90 = tpu.memref_slice %arg3[%mul3A_4] : memref<320000xi32, #tpu.memory_space<hbm>> -> memref<10000xi32, #tpu.memory_space<hbm>>
      %dma_wait3A_91 = tpu.memref_slice %arg3[%mul3A_4] : memref<320000xi32, #tpu.memory_space<hbm>> -> memref<10000xi32, #tpu.memory_space<hbm>>
      tpu.wait_dma2 semaphore(%run_scoped3A : memref<!tpu.dma_semaphore, #tpu.memory_space<semaphore_mem>>) src(%dma_wait3A_91 : memref<10000xi32, #tpu.memory_space<hbm>>) dst(%arg13 : memref<10000xi32, #tpu.memory_space<vmem>>)
      tpu.yield
    }) : () -> ()
    "tpu.region"() ({
      %run_scoped3A = tpu.sem_alloc : memref<!tpu.dma_semaphore, #tpu.memory_space<semaphore_mem>>
      tpu.enqueue_dma source(%arg5 : memref<128xf32, #tpu.memory_space<hbm>>) target(%arg14 : memref<128xf32, #tpu.memory_space<vmem>>) target_semaphore(%run_scoped3A : memref<!tpu.dma_semaphore, #tpu.memory_space<semaphore_mem>>)
      tpu.wait_dma2 semaphore(%run_scoped3A : memref<!tpu.dma_semaphore, #tpu.memory_space<semaphore_mem>>) src(%arg5 : memref<128xf32, #tpu.memory_space<hbm>>) dst(%arg14 : memref<128xf32, #tpu.memory_space<vmem>>)
      tpu.yield
    }) : () -> ()
    %barrier3A = arith.constant 0 : index
    tpu.barrier barrier_id(%barrier3A)
    %dma_start3A = arith.constant 0 : i32
    %dma_start3A_5 = tpu.memref_slice %arg14[%dma_start3A] : memref<128xf32, #tpu.memory_space<vmem>> -> memref<128xf32, #tpu.memory_space<vmem>>
    %dma_start3A_6 = arith.constant 0 : i32
    %dma_start3A_7 = tpu.memref_slice %arg12[%dma_start3A_6] : memref<10000xi32, #tpu.memory_space<vmem>> -> memref<128xi32, #tpu.memory_space<vmem>>
    %dma_start3A_8 = arith.constant 0 : i32
    %dma_start3A_9 = tpu.memref_slice %arg10[%dma_start3A_8] : memref<10240xf32, #tpu.memory_space<vmem_shared>> -> memref<10240xf32, #tpu.memory_space<vmem_shared>>
    tpu.enqueue_indirect_dma source(%dma_start3A_5 : memref<128xf32, #tpu.memory_space<vmem>>) target(%dma_start3A_9 : memref<10240xf32, #tpu.memory_space<vmem_shared>>) offsets(%dma_start3A_7 : memref<128xi32, #tpu.memory_space<vmem>>) semaphore(%arg15 : memref<!tpu.dma_semaphore, #tpu.memory_space<semaphore_mem>>) {add = true}
    %dma_start3A_10 = arith.constant 0 : i32
    %dma_start3A_11 = tpu.memref_slice %arg14[%dma_start3A_10] : memref<128xf32, #tpu.memory_space<vmem>> -> memref<128xf32, #tpu.memory_space<vmem>>
    %dma_start3A_12 = arith.constant 0 : i32
    %dma_start3A_13 = tpu.memref_slice %arg13[%dma_start3A_12] : memref<10000xi32, #tpu.memory_space<vmem>> -> memref<128xi32, #tpu.memory_space<vmem>>
    %dma_start3A_14 = arith.constant 0 : i32
    %dma_start3A_15 = tpu.memref_slice %arg11[%dma_start3A_14] : memref<10240xf32, #tpu.memory_space<vmem_shared>> -> memref<10240xf32, #tpu.memory_space<vmem_shared>>
    tpu.enqueue_indirect_dma source(%dma_start3A_11 : memref<128xf32, #tpu.memory_space<vmem>>) target(%dma_start3A_15 : memref<10240xf32, #tpu.memory_space<vmem_shared>>) offsets(%dma_start3A_13 : memref<128xi32, #tpu.memory_space<vmem>>) semaphore(%arg16 : memref<!tpu.dma_semaphore, #tpu.memory_space<semaphore_mem>>) {add = true}
    %dma_start3A_16 = arith.constant 0 : i32
    %dma_start3A_17 = tpu.memref_slice %arg14[%dma_start3A_16] : memref<128xf32, #tpu.memory_space<vmem>> -> memref<128xf32, #tpu.memory_space<vmem>>
    %dma_start3A_18 = arith.constant 128 : i32
    %dma_start3A_19 = tpu.memref_slice %arg12[%dma_start3A_18] : memref<10000xi32, #tpu.memory_space<vmem>> -> memref<128xi32, #tpu.memory_space<vmem>>
    %dma_start3A_20 = arith.constant 0 : i32
    %dma_start3A_21 = tpu.memref_slice %arg10[%dma_start3A_20] : memref<10240xf32, #tpu.memory_space<vmem_shared>> -> memref<10240xf32, #tpu.memory_space<vmem_shared>>
    tpu.enqueue_indirect_dma source(%dma_start3A_17 : memref<128xf32, #tpu.memory_space<vmem>>) target(%dma_start3A_21 : memref<10240xf32, #tpu.memory_space<vmem_shared>>) offsets(%dma_start3A_19 : memref<128xi32, #tpu.memory_space<vmem>>) semaphore(%arg15 : memref<!tpu.dma_semaphore, #tpu.memory_space<semaphore_mem>>) {add = true}
    %dma_start3A_22 = arith.constant 0 : i32
    %dma_start3A_23 = tpu.memref_slice %arg14[%dma_start3A_22] : memref<128xf32, #tpu.memory_space<vmem>> -> memref<128xf32, #tpu.memory_space<vmem>>
    %dma_start3A_24 = arith.constant 128 : i32
    %dma_start3A_25 = tpu.memref_slice %arg13[%dma_start3A_24] : memref<10000xi32, #tpu.memory_space<vmem>> -> memref<128xi32, #tpu.memory_space<vmem>>
    %dma_start3A_26 = arith.constant 0 : i32
    %dma_start3A_27 = tpu.memref_slice %arg11[%dma_start3A_26] : memref<10240xf32, #tpu.memory_space<vmem_shared>> -> memref<10240xf32, #tpu.memory_space<vmem_shared>>
    tpu.enqueue_indirect_dma source(%dma_start3A_23 : memref<128xf32, #tpu.memory_space<vmem>>) target(%dma_start3A_27 : memref<10240xf32, #tpu.memory_space<vmem_shared>>) offsets(%dma_start3A_25 : memref<128xi32, #tpu.memory_space<vmem>>) semaphore(%arg16 : memref<!tpu.dma_semaphore, #tpu.memory_space<semaphore_mem>>) {add = true}
    %dma_start3A_28 = arith.constant 0 : i32
    %dma_start3A_29 = tpu.memref_slice %arg14[%dma_start3A_28] : memref<128xf32, #tpu.memory_space<vmem>> -> memref<128xf32, #tpu.memory_space<vmem>>
    %dma_start3A_30 = arith.constant 256 : i32
    %dma_start3A_31 = tpu.memref_slice %arg12[%dma_start3A_30] : memref<10000xi32, #tpu.memory_space<vmem>> -> memref<128xi32, #tpu.memory_space<vmem>>
    %dma_start3A_32 = arith.constant 0 : i32
    %dma_start3A_33 = tpu.memref_slice %arg10[%dma_start3A_32] : memref<10240xf32, #tpu.memory_space<vmem_shared>> -> memref<10240xf32, #tpu.memory_space<vmem_shared>>
    tpu.enqueue_indirect_dma source(%dma_start3A_29 : memref<128xf32, #tpu.memory_space<vmem>>) target(%dma_start3A_33 : memref<10240xf32, #tpu.memory_space<vmem_shared>>) offsets(%dma_start3A_31 : memref<128xi32, #tpu.memory_space<vmem>>) semaphore(%arg15 : memref<!tpu.dma_semaphore, #tpu.memory_space<semaphore_mem>>) {add = true}
    %dma_start3A_34 = arith.constant 0 : i32
    %dma_start3A_35 = tpu.memref_slice %arg14[%dma_start3A_34] : memref<128xf32, #tpu.memory_space<vmem>> -> memref<128xf32, #tpu.memory_space<vmem>>
    %dma_start3A_36 = arith.constant 256 : i32
    %dma_start3A_37 = tpu.memref_slice %arg13[%dma_start3A_36] : memref<10000xi32, #tpu.memory_space<vmem>> -> memref<128xi32, #tpu.memory_space<vmem>>
    %dma_start3A_38 = arith.constant 0 : i32
    %dma_start3A_39 = tpu.memref_slice %arg11[%dma_start3A_38] : memref<10240xf32, #tpu.memory_space<vmem_shared>> -> memref<10240xf32, #tpu.memory_space<vmem_shared>>
    tpu.enqueue_indirect_dma source(%dma_start3A_35 : memref<128xf32, #tpu.memory_space<vmem>>) target(%dma_start3A_39 : memref<10240xf32, #tpu.memory_space<vmem_shared>>) offsets(%dma_start3A_37 : memref<128xi32, #tpu.memory_space<vmem>>) semaphore(%arg16 : memref<!tpu.dma_semaphore, #tpu.memory_space<semaphore_mem>>) {add = true}
    %dma_start3A_40 = arith.constant 0 : i32
    %dma_start3A_41 = tpu.memref_slice %arg14[%dma_start3A_40] : memref<128xf32, #tpu.memory_space<vmem>> -> memref<128xf32, #tpu.memory_space<vmem>>
    %dma_start3A_42 = arith.constant 384 : i32
    %dma_start3A_43 = tpu.memref_slice %arg12[%dma_start3A_42] : memref<10000xi32, #tpu.memory_space<vmem>> -> memref<128xi32, #tpu.memory_space<vmem>>
    %dma_start3A_44 = arith.constant 0 : i32
    %dma_start3A_45 = tpu.memref_slice %arg10[%dma_start3A_44] : memref<10240xf32, #tpu.memory_space<vmem_shared>> -> memref<10240xf32, #tpu.memory_space<vmem_shared>>
    tpu.enqueue_indirect_dma source(%dma_start3A_41 : memref<128xf32, #tpu.memory_space<vmem>>) target(%dma_start3A_45 : memref<10240xf32, #tpu.memory_space<vmem_shared>>) offsets(%dma_start3A_43 : memref<128xi32, #tpu.memory_space<vmem>>) semaphore(%arg15 : memref<!tpu.dma_semaphore, #tpu.memory_space<semaphore_mem>>) {add = true}
    %dma_start3A_46 = arith.constant 0 : i32
    %dma_start3A_47 = tpu.memref_slice %arg14[%dma_start3A_46] : memref<128xf32, #tpu.memory_space<vmem>> -> memref<128xf32, #tpu.memory_space<vmem>>
    %dma_start3A_48 = arith.constant 384 : i32
    %dma_start3A_49 = tpu.memref_slice %arg13[%dma_start3A_48] : memref<10000xi32, #tpu.memory_space<vmem>> -> memref<128xi32, #tpu.memory_space<vmem>>
    %dma_start3A_50 = arith.constant 0 : i32
    %dma_start3A_51 = tpu.memref_slice %arg11[%dma_start3A_50] : memref<10240xf32, #tpu.memory_space<vmem_shared>> -> memref<10240xf32, #tpu.memory_space<vmem_shared>>
    tpu.enqueue_indirect_dma source(%dma_start3A_47 : memref<128xf32, #tpu.memory_space<vmem>>) target(%dma_start3A_51 : memref<10240xf32, #tpu.memory_space<vmem_shared>>) offsets(%dma_start3A_49 : memref<128xi32, #tpu.memory_space<vmem>>) semaphore(%arg16 : memref<!tpu.dma_semaphore, #tpu.memory_space<semaphore_mem>>) {add = true}
    %scan3A = arith.constant 0 : i32
    %scan3A_52 = arith.constant 4 : i32
    %scan3A_53 = arith.constant 78 : i32
    %scan3A_54 = arith.addi %scan3A_52, %scan3A_53 : i32
    %scan3A_55 = arith.constant 1 : i32
    scf.for %scan3A_88 = %scan3A_52 to %scan3A_54 step %scan3A_55  : i32 {
      %sub3A = arith.constant 4 : i32
      %sub3A_89 = arith.subi %scan3A_88, %sub3A : i32
      %mul3A_90 = arith.constant 128 : i32
      %mul3A_91 = arith.muli %sub3A_89, %mul3A_90 : i32
      %mul3A_92 = arith.constant 128 : i32
      %mul3A_93 = arith.muli %sub3A_89, %mul3A_92 : i32
      %dma_wait3A_94 = arith.constant 0 : i32
      %dma_wait3A_95 = tpu.memref_slice %arg14[%dma_wait3A_94] : memref<128xf32, #tpu.memory_space<vmem>> -> memref<128xf32, #tpu.memory_space<vmem>>
      %dma_wait3A_96 = tpu.memref_slice %arg12[%mul3A_91] : memref<10000xi32, #tpu.memory_space<vmem>> -> memref<128xi32, #tpu.memory_space<vmem>>
      %dma_wait3A_97 = arith.constant 0 : i32
      %dma_wait3A_98 = tpu.memref_slice %arg10[%dma_wait3A_97] : memref<10240xf32, #tpu.memory_space<vmem_shared>> -> memref<10240xf32, #tpu.memory_space<vmem_shared>>
      tpu.wait_indirect_dma semaphore(%arg15 : memref<!tpu.dma_semaphore, #tpu.memory_space<semaphore_mem>>) src(%dma_wait3A_95 : memref<128xf32, #tpu.memory_space<vmem>>) dst(%dma_wait3A_98 : memref<10240xf32, #tpu.memory_space<vmem_shared>>)
      %dma_wait3A_99 = arith.constant 0 : i32
      %dma_wait3A_100 = tpu.memref_slice %arg14[%dma_wait3A_99] : memref<128xf32, #tpu.memory_space<vmem>> -> memref<128xf32, #tpu.memory_space<vmem>>
      %dma_wait3A_101 = tpu.memref_slice %arg13[%mul3A_93] : memref<10000xi32, #tpu.memory_space<vmem>> -> memref<128xi32, #tpu.memory_space<vmem>>
      %dma_wait3A_102 = arith.constant 0 : i32
      %dma_wait3A_103 = tpu.memref_slice %arg11[%dma_wait3A_102] : memref<10240xf32, #tpu.memory_space<vmem_shared>> -> memref<10240xf32, #tpu.memory_space<vmem_shared>>
      tpu.wait_indirect_dma semaphore(%arg16 : memref<!tpu.dma_semaphore, #tpu.memory_space<semaphore_mem>>) src(%dma_wait3A_100 : memref<128xf32, #tpu.memory_space<vmem>>) dst(%dma_wait3A_103 : memref<10240xf32, #tpu.memory_space<vmem_shared>>)
      %lt3A = arith.constant 78 : i32
      %lt3A_104 = arith.cmpi slt, %scan3A_88, %lt3A : i32
      %convert_element_type3A_105 = arith.extui %lt3A_104 : i1 to i32
      %cond3A_106 = arith.constant 0 : i32
      %cond3A_107 = arith.cmpi ne, %convert_element_type3A_105, %cond3A_106 : i32
      scf.if %cond3A_107 {
        %mul3A_108 = arith.constant 128 : i32
        %mul3A_109 = arith.muli %scan3A_88, %mul3A_108 : i32
        %mul3A_110 = arith.constant 128 : i32
        %mul3A_111 = arith.muli %scan3A_88, %mul3A_110 : i32
        %dma_start3A_112 = arith.constant 0 : i32
        %dma_start3A_113 = tpu.memref_slice %arg14[%dma_start3A_112] : memref<128xf32, #tpu.memory_space<vmem>> -> memref<128xf32, #tpu.memory_space<vmem>>
        %dma_start3A_114 = tpu.memref_slice %arg12[%mul3A_109] : memref<10000xi32, #tpu.memory_space<vmem>> -> memref<128xi32, #tpu.memory_space<vmem>>
        %dma_start3A_115 = arith.constant 0 : i32
        %dma_start3A_116 = tpu.memref_slice %arg10[%dma_start3A_115] : memref<10240xf32, #tpu.memory_space<vmem_shared>> -> memref<10240xf32, #tpu.memory_space<vmem_shared>>
        tpu.enqueue_indirect_dma source(%dma_start3A_113 : memref<128xf32, #tpu.memory_space<vmem>>) target(%dma_start3A_116 : memref<10240xf32, #tpu.memory_space<vmem_shared>>) offsets(%dma_start3A_114 : memref<128xi32, #tpu.memory_space<vmem>>) semaphore(%arg15 : memref<!tpu.dma_semaphore, #tpu.memory_space<semaphore_mem>>) {add = true}
        %dma_start3A_117 = arith.constant 0 : i32
        %dma_start3A_118 = tpu.memref_slice %arg14[%dma_start3A_117] : memref<128xf32, #tpu.memory_space<vmem>> -> memref<128xf32, #tpu.memory_space<vmem>>
        %dma_start3A_119 = tpu.memref_slice %arg13[%mul3A_111] : memref<10000xi32, #tpu.memory_space<vmem>> -> memref<128xi32, #tpu.memory_space<vmem>>
        %dma_start3A_120 = arith.constant 0 : i32
        %dma_start3A_121 = tpu.memref_slice %arg11[%dma_start3A_120] : memref<10240xf32, #tpu.memory_space<vmem_shared>> -> memref<10240xf32, #tpu.memory_space<vmem_shared>>
        tpu.enqueue_indirect_dma source(%dma_start3A_118 : memref<128xf32, #tpu.memory_space<vmem>>) target(%dma_start3A_121 : memref<10240xf32, #tpu.memory_space<vmem_shared>>) offsets(%dma_start3A_119 : memref<128xi32, #tpu.memory_space<vmem>>) semaphore(%arg16 : memref<!tpu.dma_semaphore, #tpu.memory_space<semaphore_mem>>) {add = true}
      } else {
      }
    }
    %scan3A_56 = arith.constant 78 : i32
    %dma_start3A_57 = arith.constant 0 : i32
    %dma_start3A_58 = tpu.memref_slice %arg14[%dma_start3A_57] : memref<128xf32, #tpu.memory_space<vmem>> -> memref<16xf32, #tpu.memory_space<vmem>>
    %dma_start3A_59 = arith.constant 9984 : i32
    %dma_start3A_60 = tpu.memref_slice %arg12[%dma_start3A_59] : memref<10000xi32, #tpu.memory_space<vmem>> -> memref<16xi32, #tpu.memory_space<vmem>>
    %dma_start3A_61 = arith.constant 0 : i32
    %dma_start3A_62 = tpu.memref_slice %arg10[%dma_start3A_61] : memref<10240xf32, #tpu.memory_space<vmem_shared>> -> memref<10240xf32, #tpu.memory_space<vmem_shared>>
    tpu.enqueue_indirect_dma source(%dma_start3A_58 : memref<16xf32, #tpu.memory_space<vmem>>) target(%dma_start3A_62 : memref<10240xf32, #tpu.memory_space<vmem_shared>>) offsets(%dma_start3A_60 : memref<16xi32, #tpu.memory_space<vmem>>) semaphore(%arg15 : memref<!tpu.dma_semaphore, #tpu.memory_space<semaphore_mem>>) {add = true}
    %dma_start3A_63 = arith.constant 0 : i32
    %dma_start3A_64 = tpu.memref_slice %arg14[%dma_start3A_63] : memref<128xf32, #tpu.memory_space<vmem>> -> memref<16xf32, #tpu.memory_space<vmem>>
    %dma_start3A_65 = arith.constant 9984 : i32
    %dma_start3A_66 = tpu.memref_slice %arg13[%dma_start3A_65] : memref<10000xi32, #tpu.memory_space<vmem>> -> memref<16xi32, #tpu.memory_space<vmem>>
    %dma_start3A_67 = arith.constant 0 : i32
    %dma_start3A_68 = tpu.memref_slice %arg11[%dma_start3A_67] : memref<10240xf32, #tpu.memory_space<vmem_shared>> -> memref<10240xf32, #tpu.memory_space<vmem_shared>>
    tpu.enqueue_indirect_dma source(%dma_start3A_64 : memref<16xf32, #tpu.memory_space<vmem>>) target(%dma_start3A_68 : memref<10240xf32, #tpu.memory_space<vmem_shared>>) offsets(%dma_start3A_66 : memref<16xi32, #tpu.memory_space<vmem>>) semaphore(%arg16 : memref<!tpu.dma_semaphore, #tpu.memory_space<semaphore_mem>>) {add = true}
    %dma_wait3A = arith.constant 0 : i32
    %dma_wait3A_69 = tpu.memref_slice %arg14[%dma_wait3A] : memref<128xf32, #tpu.memory_space<vmem>> -> memref<16xf32, #tpu.memory_space<vmem>>
    %dma_wait3A_70 = arith.constant 9984 : i32
    %dma_wait3A_71 = tpu.memref_slice %arg12[%dma_wait3A_70] : memref<10000xi32, #tpu.memory_space<vmem>> -> memref<16xi32, #tpu.memory_space<vmem>>
    %dma_wait3A_72 = arith.constant 0 : i32
    %dma_wait3A_73 = tpu.memref_slice %arg10[%dma_wait3A_72] : memref<10240xf32, #tpu.memory_space<vmem_shared>> -> memref<10240xf32, #tpu.memory_space<vmem_shared>>
    tpu.wait_indirect_dma semaphore(%arg15 : memref<!tpu.dma_semaphore, #tpu.memory_space<semaphore_mem>>) src(%dma_wait3A_69 : memref<16xf32, #tpu.memory_space<vmem>>) dst(%dma_wait3A_73 : memref<10240xf32, #tpu.memory_space<vmem_shared>>)
    %dma_wait3A_74 = arith.constant 0 : i32
    %dma_wait3A_75 = tpu.memref_slice %arg14[%dma_wait3A_74] : memref<128xf32, #tpu.memory_space<vmem>> -> memref<16xf32, #tpu.memory_space<vmem>>
    %dma_wait3A_76 = arith.constant 9984 : i32
    %dma_wait3A_77 = tpu.memref_slice %arg13[%dma_wait3A_76] : memref<10000xi32, #tpu.memory_space<vmem>> -> memref<16xi32, #tpu.memory_space<vmem>>
    %dma_wait3A_78 = arith.constant 0 : i32
    %dma_wait3A_79 = tpu.memref_slice %arg11[%dma_wait3A_78] : memref<10240xf32, #tpu.memory_space<vmem_shared>> -> memref<10240xf32, #tpu.memory_space<vmem_shared>>
    tpu.wait_indirect_dma semaphore(%arg16 : memref<!tpu.dma_semaphore, #tpu.memory_space<semaphore_mem>>) src(%dma_wait3A_75 : memref<16xf32, #tpu.memory_space<vmem>>) dst(%dma_wait3A_79 : memref<10240xf32, #tpu.memory_space<vmem_shared>>)
    %barrier3A_80 = arith.constant 0 : index
    tpu.barrier barrier_id(%barrier3A_80)
    %eq3A = arith.constant 0 : i32
    %eq3A_81 = arith.cmpi eq, %arg0, %eq3A : i32
    %convert_element_type3A = arith.extui %eq3A_81 : i1 to i32
    %cond3A = arith.constant 0 : i32
    %cond3A_82 = arith.cmpi ne, %convert_element_type3A, %cond3A : i32
    scf.if %cond3A_82 {
      "tpu.region"() ({
        %run_scoped3A = tpu.sem_alloc : memref<!tpu.dma_semaphore, #tpu.memory_space<semaphore_mem>>
        %dma_start3A_88 = tpu.memref_slice %arg6[%mul3A_0] : memref<10240xf32, #tpu.memory_space<hbm>> -> memref<640xf32, #tpu.memory_space<hbm>>
        %dma_start3A_89 = tpu.memref_slice %arg10[%mul3A_0] : memref<10240xf32, #tpu.memory_space<vmem_shared>> -> memref<640xf32, #tpu.memory_space<vmem_shared>>
        tpu.enqueue_dma source(%dma_start3A_89 : memref<640xf32, #tpu.memory_space<vmem_shared>>) target(%dma_start3A_88 : memref<640xf32, #tpu.memory_space<hbm>>) target_semaphore(%run_scoped3A : memref<!tpu.dma_semaphore, #tpu.memory_space<semaphore_mem>>)
        %dma_wait3A_90 = tpu.memref_slice %arg6[%mul3A_0] : memref<10240xf32, #tpu.memory_space<hbm>> -> memref<640xf32, #tpu.memory_space<hbm>>
        %dma_wait3A_91 = tpu.memref_slice %arg10[%mul3A_0] : memref<10240xf32, #tpu.memory_space<vmem_shared>> -> memref<640xf32, #tpu.memory_space<vmem_shared>>
        tpu.wait_dma2 semaphore(%run_scoped3A : memref<!tpu.dma_semaphore, #tpu.memory_space<semaphore_mem>>) src(%dma_wait3A_91 : memref<640xf32, #tpu.memory_space<vmem_shared>>) dst(%dma_wait3A_90 : memref<640xf32, #tpu.memory_space<hbm>>)
        tpu.yield
      }) : () -> ()
      "tpu.region"() ({
        %run_scoped3A = tpu.sem_alloc : memref<!tpu.dma_semaphore, #tpu.memory_space<semaphore_mem>>
        %dma_start3A_88 = tpu.memref_slice %arg8[%mul3A_0] : memref<10240xf32, #tpu.memory_space<hbm>> -> memref<640xf32, #tpu.memory_space<hbm>>
        %dma_start3A_89 = tpu.memref_slice %arg11[%mul3A_0] : memref<10240xf32, #tpu.memory_space<vmem_shared>> -> memref<640xf32, #tpu.memory_space<vmem_shared>>
        tpu.enqueue_dma source(%dma_start3A_89 : memref<640xf32, #tpu.memory_space<vmem_shared>>) target(%dma_start3A_88 : memref<640xf32, #tpu.memory_space<hbm>>) target_semaphore(%run_scoped3A : memref<!tpu.dma_semaphore, #tpu.memory_space<semaphore_mem>>)
        %dma_wait3A_90 = tpu.memref_slice %arg8[%mul3A_0] : memref<10240xf32, #tpu.memory_space<hbm>> -> memref<640xf32, #tpu.memory_space<hbm>>
        %dma_wait3A_91 = tpu.memref_slice %arg11[%mul3A_0] : memref<10240xf32, #tpu.memory_space<vmem_shared>> -> memref<640xf32, #tpu.memory_space<vmem_shared>>
        tpu.wait_dma2 semaphore(%run_scoped3A : memref<!tpu.dma_semaphore, #tpu.memory_space<semaphore_mem>>) src(%dma_wait3A_91 : memref<640xf32, #tpu.memory_space<vmem_shared>>) dst(%dma_wait3A_90 : memref<640xf32, #tpu.memory_space<hbm>>)
        tpu.yield
      }) : () -> ()
    } else {
    }
    %eq3A_83 = arith.constant 1 : i32
    %eq3A_84 = arith.cmpi eq, %arg0, %eq3A_83 : i32
    %convert_element_type3A_85 = arith.extui %eq3A_84 : i1 to i32
    %cond3A_86 = arith.constant 0 : i32
    %cond3A_87 = arith.cmpi ne, %convert_element_type3A_85, %cond3A_86 : i32
    scf.if %cond3A_87 {
      "tpu.region"() ({
        %run_scoped3A = tpu.sem_alloc : memref<!tpu.dma_semaphore, #tpu.memory_space<semaphore_mem>>
        %dma_start3A_88 = tpu.memref_slice %arg7[%mul3A_0] : memref<10240xf32, #tpu.memory_space<hbm>> -> memref<640xf32, #tpu.memory_space<hbm>>
        %dma_start3A_89 = tpu.memref_slice %arg10[%mul3A_0] : memref<10240xf32, #tpu.memory_space<vmem_shared>> -> memref<640xf32, #tpu.memory_space<vmem_shared>>
        tpu.enqueue_dma source(%dma_start3A_89 : memref<640xf32, #tpu.memory_space<vmem_shared>>) target(%dma_start3A_88 : memref<640xf32, #tpu.memory_space<hbm>>) target_semaphore(%run_scoped3A : memref<!tpu.dma_semaphore, #tpu.memory_space<semaphore_mem>>)
        %dma_wait3A_90 = tpu.memref_slice %arg7[%mul3A_0] : memref<10240xf32, #tpu.memory_space<hbm>> -> memref<640xf32, #tpu.memory_space<hbm>>
        %dma_wait3A_91 = tpu.memref_slice %arg10[%mul3A_0] : memref<10240xf32, #tpu.memory_space<vmem_shared>> -> memref<640xf32, #tpu.memory_space<vmem_shared>>
        tpu.wait_dma2 semaphore(%run_scoped3A : memref<!tpu.dma_semaphore, #tpu.memory_space<semaphore_mem>>) src(%dma_wait3A_91 : memref<640xf32, #tpu.memory_space<vmem_shared>>) dst(%dma_wait3A_90 : memref<640xf32, #tpu.memory_space<hbm>>)
        tpu.yield
      }) : () -> ()
      "tpu.region"() ({
        %run_scoped3A = tpu.sem_alloc : memref<!tpu.dma_semaphore, #tpu.memory_space<semaphore_mem>>
        %dma_start3A_88 = tpu.memref_slice %arg9[%mul3A_0] : memref<10240xf32, #tpu.memory_space<hbm>> -> memref<640xf32, #tpu.memory_space<hbm>>
        %dma_start3A_89 = tpu.memref_slice %arg11[%mul3A_0] : memref<10240xf32, #tpu.memory_space<vmem_shared>> -> memref<640xf32, #tpu.memory_space<vmem_shared>>
        tpu.enqueue_dma source(%dma_start3A_89 : memref<640xf32, #tpu.memory_space<vmem_shared>>) target(%dma_start3A_88 : memref<640xf32, #tpu.memory_space<hbm>>) target_semaphore(%run_scoped3A : memref<!tpu.dma_semaphore, #tpu.memory_space<semaphore_mem>>)
        %dma_wait3A_90 = tpu.memref_slice %arg9[%mul3A_0] : memref<10240xf32, #tpu.memory_space<hbm>> -> memref<640xf32, #tpu.memory_space<hbm>>
        %dma_wait3A_91 = tpu.memref_slice %arg11[%mul3A_0] : memref<10240xf32, #tpu.memory_space<vmem_shared>> -> memref<640xf32, #tpu.memory_space<vmem_shared>>
        tpu.wait_dma2 semaphore(%run_scoped3A : memref<!tpu.dma_semaphore, #tpu.memory_space<semaphore_mem>>) src(%dma_wait3A_91 : memref<640xf32, #tpu.memory_space<vmem_shared>>) dst(%dma_wait3A_90 : memref<640xf32, #tpu.memory_space<hbm>>)
        tpu.yield
      }) : () -> ()
    } else {
    }
    return
  }
}

module attributes {stable_mosaic.version = 14 : i64} {
  func.func @_msg_body(%arg0: i32, %arg1: memref<2000x128xf32, #tpu.memory_space<vmem>>, %arg2: memref<2000x1xf32, #tpu.memory_space<vmem>>, %arg3: memref<2000x128xf32, #tpu.memory_space<vmem>>) attributes {dimension_semantics = [#tpu.dimension_semantics<arbitrary>], iteration_bounds = array<i64: 5>, scalar_prefetch = 0 : i64, scratch_operands = 0 : i64, tpu.core_type = #tpu.core_type<tc>, window_params = [{transform_indices = @transform_0, window_bounds = array<i64: 2000, 128>}, {transform_indices = @transform_1, window_bounds = array<i64: 2000, 1>}, {transform_indices = @transform_2, window_bounds = array<i64: 2000, 128>}]} {
    %get3A = arith.constant 0 : index
    %get3A_0 = arith.constant 0 : index
    %get3A_1 = vector.load %arg2[%get3A, %get3A_0] : memref<2000x1xf32, #tpu.memory_space<vmem>>, vector<2000x1xf32>
    %max3A = arith.constant 1.000000e+00 : f32
    %max3A_2 = vector.broadcast %max3A : f32 to vector<2000x1xf32>
    %max3A_3 = arith.maximumf %get3A_1, %max3A_2 : vector<2000x1xf32>
    %get3A_4 = arith.constant 0 : index
    %get3A_5 = arith.constant 0 : index
    %get3A_6 = vector.load %arg1[%get3A_4, %get3A_5] : memref<2000x128xf32, #tpu.memory_space<vmem>>, vector<2000x128xf32>
    %rsqrt3A = math.rsqrt %max3A_3 : vector<2000x1xf32>
    %mul3A = vector.broadcast %rsqrt3A : vector<2000x1xf32> to vector<2000x128xf32>
    %mul3A_7 = arith.mulf %get3A_6, %mul3A : vector<2000x128xf32>
    %swap3A = arith.constant 0 : index
    %swap3A_8 = arith.constant 0 : index
    %swap3A_9 = vector.load %arg3[%swap3A, %swap3A_8] : memref<2000x128xf32, #tpu.memory_space<vmem>>, vector<2000x128xf32>
    tpu.vector_store %arg3[%swap3A, %swap3A_8], %mul3A_7 {strides = array<i32>} : memref<2000x128xf32, #tpu.memory_space<vmem>>, vector<2000x128xf32>,
    return
  }
  func.func @transform_0(%arg0: i32) -> (i32, i32) {
    %c0_i32 = arith.constant 0 : i32
    %c0_i32_0 = arith.constant 0 : i32
    return %arg0, %c0_i32 : i32, i32
  }
  func.func @transform_1(%arg0: i32) -> (i32, i32) {
    %c0_i32 = arith.constant 0 : i32
    %c0_i32_0 = arith.constant 0 : i32
    return %arg0, %c0_i32 : i32, i32
  }
  func.func @transform_2(%arg0: i32) -> (i32, i32) {
    %c0_i32 = arith.constant 0 : i32
    %c0_i32_0 = arith.constant 0 : i32
    return %arg0, %c0_i32 : i32, i32
  }
}

module attributes {stable_mosaic.version = 14 : i64} {
  func.func @_final_body(%arg0: i32, %arg1: memref<2x2000x128xf32, #tpu.memory_space<vmem>>, %arg2: memref<2000x1xf32, #tpu.memory_space<vmem>>, %arg3: memref<128x128xf32, #tpu.memory_space<vmem>>, %arg4: memref<1x128xf32, #tpu.memory_space<vmem>>, %arg5: memref<2000x128xf32, #tpu.memory_space<vmem>>) attributes {dimension_semantics = [#tpu.dimension_semantics<arbitrary>], iteration_bounds = array<i64: 5>, scalar_prefetch = 0 : i64, scratch_operands = 0 : i64, tpu.core_type = #tpu.core_type<tc>, window_params = [{transform_indices = @transform_0, window_bounds = array<i64: 2, 2000, 128>}, {transform_indices = @transform_1, window_bounds = array<i64: 2000, 1>}, {pipeline_mode = #tpu.pipeline_mode<synchronous>, transform_indices = @transform_2, window_bounds = array<i64: 128, 128>}, {pipeline_mode = #tpu.pipeline_mode<synchronous>, transform_indices = @transform_3, window_bounds = array<i64: 1, 128>}, {transform_indices = @transform_4, window_bounds = array<i64: 2000, 128>}]} {
    %get3A = arith.constant 0 : index
    %get3A_0 = arith.constant 0 : index
    %get3A_1 = arith.constant 0 : index
    %get3A_2 = vector.load %arg1[%get3A, %get3A_0, %get3A_1] : memref<2x2000x128xf32, #tpu.memory_space<vmem>>, vector<1x2000x128xf32>
    %get3A_3 = vector.shape_cast %get3A_2 : vector<1x2000x128xf32> to vector<2000x128xf32>
    %get3A_4 = arith.constant 1 : index
    %get3A_5 = arith.constant 0 : index
    %get3A_6 = arith.constant 0 : index
    %get3A_7 = vector.load %arg1[%get3A_4, %get3A_5, %get3A_6] : memref<2x2000x128xf32, #tpu.memory_space<vmem>>, vector<1x2000x128xf32>
    %get3A_8 = vector.shape_cast %get3A_7 : vector<1x2000x128xf32> to vector<2000x128xf32>
    %add3A = arith.addf %get3A_3, %get3A_8 : vector<2000x128xf32>
    %get3A_9 = arith.constant 0 : index
    %get3A_10 = arith.constant 0 : index
    %get3A_11 = vector.load %arg2[%get3A_9, %get3A_10] : memref<2000x1xf32, #tpu.memory_space<vmem>>, vector<2000x1xf32>
    %max3A = arith.constant 1.000000e+00 : f32
    %max3A_12 = vector.broadcast %max3A : f32 to vector<2000x1xf32>
    %max3A_13 = arith.maximumf %get3A_11, %max3A_12 : vector<2000x1xf32>
    %rsqrt3A = math.rsqrt %max3A_13 : vector<2000x1xf32>
    %mul3A = vector.broadcast %rsqrt3A : vector<2000x1xf32> to vector<2000x128xf32>
    %mul3A_14 = arith.mulf %add3A, %mul3A : vector<2000x128xf32>
    %get3A_15 = arith.constant 0 : index
    %get3A_16 = arith.constant 0 : index
    %get3A_17 = vector.load %arg3[%get3A_15, %get3A_16] : memref<128x128xf32, #tpu.memory_space<vmem>>, vector<128x128xf32>
    %dot_general3A = arith.constant dense<0.000000e+00> : vector<2000x128xf32>
    %dot_general3A_18 = tpu.matmul %mul3A_14, %get3A_17, %dot_general3A {dimension_numbers = #tpu.dot_dimension_numbers<[1], [0], [0], [1], [0, 0, 1, 1], [], []>, transpose_lhs_hint = false} : vector<2000x128xf32>, vector<128x128xf32>, vector<2000x128xf32> -> vector<2000x128xf32>
    %get3A_19 = arith.constant 0 : index
    %get3A_20 = arith.constant 0 : index
    %get3A_21 = vector.load %arg4[%get3A_19, %get3A_20] : memref<1x128xf32, #tpu.memory_space<vmem>>, vector<1x128xf32>
    %add3A_22 = vector.broadcast %get3A_21 : vector<1x128xf32> to vector<2000x128xf32>
    %add3A_23 = arith.addf %dot_general3A_18, %add3A_22 : vector<2000x128xf32>
    %swap3A = arith.constant 0 : index
    %swap3A_24 = arith.constant 0 : index
    %swap3A_25 = vector.load %arg5[%swap3A, %swap3A_24] : memref<2000x128xf32, #tpu.memory_space<vmem>>, vector<2000x128xf32>
    tpu.vector_store %arg5[%swap3A, %swap3A_24], %add3A_23 {strides = array<i32>} : memref<2000x128xf32, #tpu.memory_space<vmem>>, vector<2000x128xf32>,
    return
  }
  func.func @transform_0(%arg0: i32) -> (i32, i32, i32) {
    %c0_i32 = arith.constant 0 : i32
    %c0_i32_0 = arith.constant 0 : i32
    %c0_i32_1 = arith.constant 0 : i32
    return %c0_i32, %arg0, %c0_i32_0 : i32, i32, i32
  }
  func.func @transform_1(%arg0: i32) -> (i32, i32) {
    %c0_i32 = arith.constant 0 : i32
    %c0_i32_0 = arith.constant 0 : i32
    return %arg0, %c0_i32 : i32, i32
  }
  func.func @transform_2(%arg0: i32) -> (i32, i32) {
    %c0_i32 = arith.constant 0 : i32
    %c0_i32_0 = arith.constant 0 : i32
    %c0_i32_1 = arith.constant 0 : i32
    return %c0_i32, %c0_i32_0 : i32, i32
  }
  func.func @transform_3(%arg0: i32) -> (i32, i32) {
    %c0_i32 = arith.constant 0 : i32
    %c0_i32_0 = arith.constant 0 : i32
    %c0_i32_1 = arith.constant 0 : i32
    return %c0_i32, %c0_i32_0 : i32, i32
  }
  func.func @transform_4(%arg0: i32) -> (i32, i32) {
    %c0_i32 = arith.constant 0 : i32
    %c0_i32_0 = arith.constant 0 : i32
    return %arg0, %c0_i32 : i32, i32
  }
}

</mosaic_0001>

<sc_bundles>
// kernel: kernel.6.cloned.1.call-start
scs
__scs_entry_jumppad:
0x0: {  	(pc) =	sbr.rel $0x88, $3  }
0x1: {  	(tag) =	ssettag $0x0;
	lr =	simm.s32 $0x1  }
0x2: {  	[smem:$0x3F9D] =	sst lr;
	_ =	strace $0xD0000000  }
0x3: {  	_ = 	snop  }
0x4: {  	_ = 	snop  }
0x5: {  	_ = 	snop  }
0x6: {  	_ = 	snop  }
0x7: {  	_ = 	snop  }
__scs_overlays_trampoline_lowered:
0x8: {  	[smem:$0x3FAC] =	sst s0  }
0x9: {  	[smem:$0x3FAD] =	sst s1  }
0xa: {  	[smem:$0x3FAE] =	sst s2  }
0xb: {  	[smem:$0x3FAF] =	sst s3  }
0xc: {  	[smem:$0x3FB0] =	sst s4  }
0xd: {  	[smem:$0x3FB1] =	sst s5  }
0xe: {  	[smem:$0x3FB2] =	sst s6  }
0xf: {  	[smem:$0x3FB3] =	sst s7  }
0x10: {  	[smem:$0x3FB4] =	sst s8  }
0x11: {  	[smem:$0x3FB5] =	sst s9;
	s0 =	simm.s32 @!p0 $0x0  }
0x12: {  	s1 =	sld [smem:$0x3F9B];
	s0 =	simm.s32 @p0 $0x1  }
0x13: {  	[smem:$0x3FB6] =	sst s0;
	s0 =	simm.s32 @!p1 $0x0  }
0x14: {  	s2 =	sld [smem:$0x3F9A];
	s0 =	simm.s32 @p1 $0x1  }
0x15: {  	[smem:$0x3FB7] =	sst s0;
	s0 =	simm.s32 @!p2 $0x0  }
0x16: {  	s3 =	sld [smem:$0x3FDB];
	s0 =	simm.s32 @p2 $0x1  }
0x17: {  	s4 =	simm.s32 $0x1BF5;
	[smem:$0x3FB9] =	sst s0  }
0x18: {  	s0 =	sld [smem:$0x3F9C];
	_ =	swait.ge [sflag:s4], $0x0  }
0x19: {  	s7 =	sld [smem:$0x3F9D]  }
0x1a: {  	s8 =	sadd.s32 $0xFFFFE003, lr  }
0x1b: {  	s9 =	sadd.s32 $0xFFFFFEF7, lr;
	s5 =	simm.s32 $0xFFFFFFFF;
	p2 =	slt.u32 s8, $0xFFFFF086  }
0x1c: {  	p1 =	slt.u32 s9, $0xF7A;
	s5 =	simm.s32 @!p2 $0x0  }
0x1d: {  	s5 =	simm.s32 @p1 $0x1;
	p0 =	seq.s32 s7, s2  }
0x1e: {  	s7 =	smul.u32 @!p0 $0xF7A, s2;
	p2 =	seq.s32 @!p0 s5, $0x0  }
0x1f: {  	s9 =	smul.u32 $0xF7A, s1;
	s8 =	simm.s32 @!p0 $0x1BF5;
	p2 =	por !p2, p0  }
0x20: {  	[sflag:s8] =	ssyncset.s32 @!p0 $0xFFFFF086;
	s6 =	sadd.s32 @!p0 s3, s7;
	s7 =	simm.s32 @!p0 $0x108  }
0x21: {  	s3 =	sadd.s32 s3, s9;
	s6 =	sadd.s32 @!p0 $0x88, s6;
	s7 =	simm.s32 @p2 $0x1082  }
0x22: {  	[simem:s7], [sflag:s8] =	dma.local @!p0 [hbm:s6], $0xF7A  }
0x23: {  	s9 =	sor.u32 $0xD0000000, s2;
	s6 =	simm.s32 $0x108;
	_ =	swait.ge @!p0 [sflag:s8], $0x0  }
0x24: {  	s3 =	sadd.s32 $0x88, s3;
	s6 =	simm.s32 @!p1 $0x1082;
	[sflag:s4] =	ssyncset.s32 $0xFFFFF086  }
0x25: {  	[simem:s6], [sflag:s4] =	dma.local [hbm:s3], $0xF7A  }
0x26: {  	[smem:$0x3F9D] =	sst s1;
	(tag) =	ssettag s2;
	_ =	strace s9  }
0x27: {  	s1 =	sld [smem:$0x3FAD]  }
0x28: {  	s2 =	sld [smem:$0x3FAE]  }
0x29: {  	s4 =	sld [smem:$0x3FB0]  }
0x2a: {  	p0 =	seq.s32 s5, $0x0;
	s5 =	sld [smem:$0x3FB1]  }
0x2b: {  	s6 =	sld [smem:$0x3FB2]  }
0x2c: {  	s7 =	sld [smem:$0x3FB3]  }
0x2d: {  	s3 =	simm.s32 $0x108;
	s8 =	sld [smem:$0x3FB4]  }
0x2e: {  	s3 =	simm.s32 @!p0 $0x1082;
	s9 =	sld [smem:$0x3FB5]  }
0x2f: {  	lr =	sadd.s32 s0, s3;
	s0 =	sld [smem:$0x3FAC]  }
0x30: {  	s3 =	sld [smem:$0x3FAF]  }
0x31: {  	[smem:$0x3FB8] =	sst s10  }
0x32: {  	s10 =	sld [smem:$0x3FB6];
	_ =	sdelay $0x3  }
0x33: {  	p0 =	seq.s32 s10, $0x1;
	s10 =	sld [smem:$0x3FB8];
	_ =	sdelay $0x3  }
0x34: {  	[smem:$0x3FB8] =	sst s10  }
0x35: {  	s10 =	sld [smem:$0x3FB7];
	_ =	sdelay $0x3  }
0x36: {  	p1 =	seq.s32 s10, $0x1;
	s10 =	sld [smem:$0x3FB8];
	_ =	sdelay $0x3  }
0x37: {  	[smem:$0x3FB8] =	sst s10  }
0x38: {  	s10 =	sld [smem:$0x3FB9]  }
0x39: {  	_ = 	snop;
	(pc) =	sbr.ind lr, $3  }
0x3a: {  	_ = 	snop  }
0x3b: {  	_ = 	snop  }
0x3c: {  	p2 =	seq.s32 s10, $0x1;
	s10 =	sld [smem:$0x3FB8]  }
0x3d: {  	_ =	shalt  }
0x3e: {  	_ =	shalt  }
0x3f: {  	_ =	shalt  }
0x40: {  	_ =	shalt  }
0x41: {  	_ =	shalt  }
0x42: {  	_ =	shalt  }
0x43: {  	_ =	shalt  }
0x44: {  	_ =	shalt  }
0x45: {  	_ =	shalt  }
0x46: {  	_ =	shalt  }
0x47: {  	_ =	shalt  }
0x48: {  	_ =	shalt  }
0x49: {  	_ =	shalt  }
0x4a: {  	_ =	shalt  }
0x4b: {  	_ =	shalt  }
0x4c: {  	_ =	shalt  }
0x4d: {  	_ =	shalt  }
0x4e: {  	_ =	shalt  }
0x4f: {  	_ =	shalt  }
0x50: {  	_ =	shalt  }
0x51: {  	_ =	shalt  }
0x52: {  	_ =	shalt  }
0x53: {  	_ =	shalt  }
0x54: {  	_ =	shalt  }
0x55: {  	_ =	shalt  }
0x56: {  	_ =	shalt  }
0x57: {  	_ =	shalt  }
0x58: {  	_ =	shalt  }
0x59: {  	_ =	shalt  }
0x5a: {  	_ =	shalt  }
0x5b: {  	_ =	shalt  }
0x5c: {  	_ =	shalt  }
0x5d: {  	_ =	shalt  }
0x5e: {  	_ =	shalt  }
0x5f: {  	_ =	shalt  }
0x60: {  	_ =	shalt  }
0x61: {  	_ =	shalt  }
0x62: {  	_ =	shalt  }
0x63: {  	_ =	shalt  }
0x64: {  	_ =	shalt  }
0x65: {  	_ =	shalt  }
0x66: {  	_ =	shalt  }
0x67: {  	_ =	shalt  }
0x68: {  	_ =	shalt  }
0x69: {  	_ =	shalt  }
0x6a: {  	_ =	shalt  }
0x6b: {  	_ =	shalt  }
0x6c: {  	_ =	shalt  }
0x6d: {  	_ =	shalt  }
0x6e: {  	_ =	shalt  }
0x6f: {  	_ =	shalt  }
0x70: {  	_ =	shalt  }
0x71: {  	_ =	shalt  }
0x72: {  	_ =	shalt  }
0x73: {  	_ =	shalt  }
0x74: {  	_ =	shalt  }
0x75: {  	_ =	shalt  }
0x76: {  	_ =	shalt  }
0x77: {  	_ =	shalt  }
0x78: {  	_ =	shalt  }
0x79: {  	_ =	shalt  }
0x7a: {  	_ =	shalt  }
0x7b: {  	_ =	shalt  }
0x7c: {  	_ =	shalt  }
0x7d: {  	_ =	shalt  }
0x7e: {  	_ =	shalt  }
0x7f: {  	_ =	shalt  }
0x80: {  	_ =	shalt  }
0x81: {  	_ =	shalt  }
0x82: {  	_ =	shalt  }
0x83: {  	_ =	shalt  }
0x84: {  	_ =	shalt  }
0x85: {  	_ =	shalt  }
0x86: {  	_ =	shalt  }
0x87: {  	_ =	shalt  }
.Lfunc_end0:
.L_simem_size_0:
called_computation_lowered:
.L_overlay_start_0:
0x88: {  	s2 =	sld [smem:$0x3FD9]  }
0x89: {  	s3 =	sld [smem:$0x3FFE];
	_ =	sdelay $0x1  }
0x8a: {  	s1 =	srdreg.scid  }
0x8b: {  	s0 =	sand.u32 $0x1, s1  }
0x8c: {  	s17 =	sshll.u32 s0, $0xA;
	s2 =	sadd.s32 s3, s2  }
0x8d: {  	s2 =	sadd.s32 s2, s17  }
0x8e: {  	[smem:$0x3FC4] =	sst s2  }
0x8f: {  	_ = 	snop  }
0x90: {  	s2 =	sld [smem:$0x3FD0];
	(tm) =	ssettm $0x1  }
0x91: {  	s18 =	sld [smem:$0x3FFB];
	_ =	sdelay $0x3  }
0x92: {  	_ =	strace s18  }
0x93: {  	s3 =	sld [smem:$0x3FFC];
	_ =	sdelay $0x3  }
0x94: {  	_ =	strace s3  }
0x95: {  	s3 =	sld [smem:$0x3FFD];
	_ =	sdelay $0x3  }
0x96: {  	_ =	strace s3  }
0x97: {  	_ =	strace $0x8FFFFFFF  }
0x98: {  	s19 =	sld [smem:$0x3FDB];
	_ =	sdelay $0x1  }
0x99: {  	s4 =	simm.s32 $_scs_section_size  }
0x9a: {  	s5 =	simm.s32 $_size__tile_overlayer_lowered;
	s6 =	simm.s32 $_tile_overlayer_lowered  }
0x9b: {  	s22 =	simm.s32 $0x1BFF;
	s21 =	sshll.u32 s6, $0x1;
	s3 =	sadd.s32 s4, s19  }
0x9c: {  	s7 =	simm.s32 $0x0;
	s20 =	sshll.u32 s5, $0x1;
	s5 =	sadd.s32 s21, s3  }
0x9d: {  	[timem:s7], [sflag:s22] =	dma.local [hbm:s5], s20  }
0x9e: {  	_ =	swait.ge [sflag:s22], s20  }
0x9f: {  	s4 =	ssub.s32 $0x0, s20;
	[sflag:s22] =	ssyncset.done $0x0  }
0xa0: {  	[sflag:s22] =	ssyncadd.s32 s4;
	_ =	sdelay $0x1  }
0xa1: {  	s23 =	simm.s32 $0x1B8B  }
0xa2: {  	_ =	swait.ge [sflag:s23], $0x1  }
0xa3: {  	[sflag:s23] =	ssyncset.done $0x0  }
0xa4: {  	s25 =	simm.s32 $0x1B8E;
	s24 =	sld [smem:$0x3FFE];
	[sflag:s23] =	ssyncadd.s32 $0xFFFFFFFF  }
0xa5: {  	s26 =	simm.s32 $execute0_lowered;
	[smem:$0x3FD2] =	sst s25  }
0xa6: {  	s5 =	sshll.u32 s26, $0x1;
	_ =	strace $0x80000046;
	[dreg:$0x1] =	wrdreg $0xFFFFFFFF  }
0xa7: {  	s28 =	simm.s32 $_size_execute0_lowered;
	s3 =	sadd.s32 s3, s5;
	[dreg:$0x0] =	wrdreg $0x0  }
0xa8: {  	s5 =	sshll.u32 s28, $0x1;
	[dreg:$0x2] =	wrdreg s3  }
0xa9: {  	[dreg:$0x3] =	wrdreg s5  }
0xaa: {  	[dreg:$0x4] =	wrdreg $0xC0  }
0xab: {  	_ =	task [dreg:s7], $0x5FFFF  }
0xac: {  	[dreg:$0x1] =	wrdreg $0xFFFFFFFF  }
0xad: {  	[dreg:$0x0] =	wrdreg $0x60  }
0xae: {  	[dreg:$0x2] =	wrdreg s24  }
0xaf: {  	[dreg:$0x3] =	wrdreg s2  }
0xb0: {  	[dreg:$0x4] =	wrdreg $0x0  }
0xb1: {  	[dreg:$0x5] =	wrdreg $0x2800  }
0xb2: {  	[dreg:$0x6] =	wrdreg $0x9  }
0xb3: {  	_ =	task.clear_ibuf [dreg:s7], $0x7FFFF;
	_ =	strace $0x90000046  }
0xb4: {  	s29 =	simm.s32 $0x9;
	_ =	strace $0x80000048  }
0xb5: {  	_ =	swait.ge [sflag:s29], $0x1  }
0xb6: {  	[sflag:s29] =	ssyncadd.s32 $0xFFFFFFFF  }
0xb7: {  	_ =	strace $0x90000048  }
0xb8: {  	_ =	sfence  }
0xb9: {  	s30 =	sld [smem:$0x0];
	_ =	sdelay $0x2  }
0xba: {  	s31 =	sshll.u32 s1, $0xD;
	s1 =	sshrl.u32 s1, $0x2  }
0xbb: {  	s3 =	sand.u32 $0x4000, s31;
	s1 =	sadd.s32 s1, s30  }
0xbc: {  	s0 =	sor.u32 s3, s0;
	s1 =	sshll.u32 s1, $0x11  }
0xbd: {  	s0 =	sor.u32 s1, s0  }
0xbe: {  	s0 =	sadd.s32 $0x8F2B, s0  }
0xbf: {  	[sflag:s0] =	ssyncadd.remote.s32 $0x1  }
0xc0: {  	_ =	sfence.sel $0xFFFF  }
0xc1: {  	[dreg:$0x0] =	wrdreg $0xFFFFFFFF;
	(pc) =	sbr.abs _section_cstart, $3  }
0xc2: {  	[dreg:$0x1] =	wrdreg $0xFFFFFFFF  }
0xc3: {  	_ =	task.clear_ibuf [dreg:s7], $0x2FFFF;
	_ =	strace $0x9FFFFFFF  }
0xc4: {  	(tm) =	ssettm $0x7FFFFFFF  }
0xc5: {  	_ =	shalt  }
tec
execute0_lowered:
.L_overlay_start_1:
0x0: {  	(tag) =	ssettag $0x1  }
0x1: {  	s0 =	rddreg [dreg:$0x0]  }
0x2: {  	s1 =	rddreg [dreg:$0x1];
	s3 =	srdreg.scid  }
0x3: {  	s2 =	rddreg [dreg:$0x2];
	s16 =	stileid.u32  }
0x4: {  	s4 =	simm.s32 $0x0;
	s17 =	simm.s32 $0x2C80;
	s18 =	simm.s32 $0x5400  }
0x5: {  	s19 =	simm.s32 $0x80;
	s28 =	simm.s32 $0x2;
	s29 =	simm.s32 $0x10  }
0x6: {  	s30 =	simm.s32 $0x2C00;
	s10 =	sand.u32 $0x1, s3;
	s3 =	rddreg [dreg:$0x3]  }
0x7: {  	s31 =	simm.s32 $0x5380;
	[smem:$0x7FF] =	sst s4;
	s6 =	sadd.s32 $0x15400, s0  }
0x8: {  	s11 =	sadd.s32 $0x15600, s0;
	s12 =	smul.u32 $0x280, s16;
	s13 =	sadd.s32 $0x15C00, s0  }
0x9: {  	s25 =	sshll.u32 s16, $0x6;
	s5 =	sshll.u32 s10, $0x4;
	_ =	strace $0x80000047  }
0xa: {  	s7 =	ssub.s32 $0x2, s10;
	p0 =	seq.s32 s10, $0x1;
	s5 =	sor.u32 s16, s5  }
0xb: {  	s8 =	sshrl.u32 s7, $0x1;
	s15 =	sadd.s32 s12, s2;
	s26 =	sadd.s32 s12, s3  }
0xc: {  	s12 =	sshrl.u32 s12, $0x3;
	s1 =	smov.u32 @p0 s11;
	s16 =	simm.s32 $0x500  }
0xd: {  	s5 =	smul.u32 $0x4E2, s5;
	s14 =	ssub.s32 s7, s8;
	s7 =	sor.u32 $0x1C03, s25  }
0xe: {  	s11 =	sadd.s32 s1, s12;
	s25 =	simm.s32 $0x2E00;
	s10 =	smax.u32 s14, $0x1  }
0xf: {  	s9 =	sadd.s32 s5, s0;
	s5 =	sadd.s32 $0x15200, s0;
	s0 =	sadd.s32 $0x16200, s0  }
0x10: {  	s14 =	simm.s32 $0x3;
	s8 =	sadd.s32 $0xB400, s9;
	s13 =	smov.u32 @p0 s0  }
0x11: {  	s9 =	sadd.s32 $0x1600, s9;
	s0 =	simm.s32 $0x0;
	s12 =	sadd.s32 s13, s12  }
0x12: {  	s13 =	sshrl.u32 s15, $0x3;
	s15 =	sshrl.u32 s26, $0x3;
	s26 =	simm.s32 $0x1  }
.LBB2_1:
0x13: {  	[spmem:s13], [sflag:s7] =	dma.local [hbm:s5], $0x50  }
0x14: {  	_ =	swait.ge [sflag:s14], $0x50  }
0x15: {  	[sflag:s14] =	ssyncset.done $0x0  }
0x16: {  	[sflag:s14] =	ssyncadd.s32 $0xFFFFFFB0  }
0x17: {  	[spmem:s15], [sflag:s7] =	dma.local [hbm:s5], $0x50  }
0x18: {  	_ =	swait.ge [sflag:s14], $0x50  }
0x19: {  	[sflag:s14] =	ssyncset.done $0x0  }
0x1a: {  	[sflag:s14] =	ssyncadd.s32 $0xFFFFFFB0  }
0x1b: {  	[tilespmem:s16], [sflag:$0x3] =	stream.linear.gather [hbm4b:s8+s4], $0x2710, $0x38;
	[tilespmem:$0x5480] =	vst v63  }
0x1c: {  	_ =	swait.ge [sflag:s14], $0x2710  }
0x1d: {  	[sflag:s14] =	ssyncset.done $0x0  }
0x1e: {  	[sflag:s14] =	ssyncadd.s32 $0xFFFFD8F0  }
0x1f: {  	[tilespmem:s17], [sflag:$0x3] =	stream.linear.gather [hbm4b:s9+s4], $0x2710, $0x38;
	[tilespmem:$0x5480] =	vst v63  }
0x20: {  	_ =	swait.ge [sflag:s14], $0x2710  }
0x21: {  	[sflag:s14] =	ssyncset.done $0x0  }
0x22: {  	[sflag:s14] =	ssyncadd.s32 $0xFFFFD8F0  }
0x23: {  	[tilespmem:s18], [sflag:$0x3] =	stream.linear.gather [hbm4b:s6+s4], $0x80, $0x38;
	[tilespmem:$0x5480] =	vst v63  }
0x24: {  	_ =	swait.ge [sflag:s14], $0x80  }
0x25: {  	[sflag:s14] =	ssyncset.done $0x0  }
0x26: {  	[sflag:s14] =	ssyncadd.s32 $0xFFFFFF80  }
0x27: {  	[bflag:$0x0] =	sbarrier.arrive $0xFFFF  }
0x28: {  	[spmem:s2] =	stream.indirect.scatter.add.f32 [tilespmem:s18], [sflag:$0x1], $0x1, s16, s19, $0xb8;
	[tilespmem:$0x5480] =	vst v63  }
0x29: {  	_ = 	snop  }
0x2a: {  	[spmem:s3] =	stream.indirect.scatter.add.f32 [tilespmem:s18], [sflag:$0x2], $0x1, s17, s19, $0xb8;
	[tilespmem:$0x5480] =	vst v63  }
0x2b: {  	s1 =	simm.s32 $0x580  }
0x2c: {  	[spmem:s2] =	stream.indirect.scatter.add.f32 [tilespmem:s18], [sflag:$0x1], $0x1, s1, s19, $0xb8;
	[tilespmem:$0x5480] =	vst v63  }
0x2d: {  	s21 =	simm.s32 $0x2D00  }
0x2e: {  	[spmem:s3] =	stream.indirect.scatter.add.f32 [tilespmem:s18], [sflag:$0x2], $0x1, s21, s19, $0xb8;
	[tilespmem:$0x5480] =	vst v63  }
0x2f: {  	s22 =	simm.s32 $0x600  }
0x30: {  	[spmem:s2] =	stream.indirect.scatter.add.f32 [tilespmem:s18], [sflag:$0x1], $0x1, s22, s19, $0xb8;
	[tilespmem:$0x5480] =	vst v63  }
0x31: {  	s23 =	simm.s32 $0x2D80  }
0x32: {  	[spmem:s3] =	stream.indirect.scatter.add.f32 [tilespmem:s18], [sflag:$0x2], $0x1, s23, s19, $0xb8;
	[tilespmem:$0x5480] =	vst v63  }
0x33: {  	s24 =	simm.s32 $0x680  }
0x34: {  	[spmem:s2] =	stream.indirect.scatter.add.f32 [tilespmem:s18], [sflag:$0x1], $0x1, s24, s19, $0xb8;
	[tilespmem:$0x5480] =	vst v63  }
0x35: {  	_ = 	snop  }
0x36: {  	[spmem:s3] =	stream.indirect.scatter.add.f32 [tilespmem:s18], [sflag:$0x2], $0x1, s25, s19, $0xb8;
	[tilespmem:$0x5480] =	vst v63  }
0x37: {  	_ =	swait.ge [sflag:s26], $0x80  }
0x38: {  	[sflag:s26] =	ssyncset.done $0x0  }
0x39: {  	[sflag:s26] =	ssyncadd.s32 $0xFFFFFF80  }
0x3a: {  	p0 =	por $0x0, $0x0;
	_ =	swait.ge [sflag:s28], $0x80  }
0x3b: {  	s20 =	simm.s32 $0x780;
	s1 =	simm.s32 $0x700;
	[sflag:s28] =	ssyncset.done $0x0  }
0x3c: {  	s23 =	simm.s32 @!p0 $0x80;
	s24 =	simm.s32 @!p0 $0x5400;
	[sflag:s28] =	ssyncadd.s32 $0xFFFFFF80  }
0x3d: {  	[spmem:s2] =	stream.indirect.scatter.add.f32 @!p0 [tilespmem:s24], [sflag:$0x1], $0x1, s1, s23, $0xb8;
	[tilespmem:$0x5480] =	vst v63  }
0x3e: {  	s21 =	simm.s32 $0x2F00;
	s22 =	simm.s32 $0x2E80;
	s1 =	simm.s32 $0x5  }
.LBB2_2:
0x3f: {  	[spmem:s3] =	stream.indirect.scatter.add.f32 @!p0 [tilespmem:s24], [sflag:$0x2], $0x1, s22, s23, $0xb8;
	[tilespmem:$0x5480] =	vst v63  }
0x40: {  	s23 =	smov.u32 s1;
	s1 =	sadd.s32 $0x1, s1;
	_ =	swait.ge [sflag:s26], $0x80  }
0x41: {  	s22 =	smov.u32 s21;
	p1 =	sne.s32 s1, $0x52;
	[sflag:s26] =	ssyncset.done $0x0  }
0x42: {  	[sflag:s26] =	ssyncadd.s32 $0xFFFFFF80  }
.Ltmp0:
0x43: {  	_ =	swait.ge [sflag:s28], $0x80;
	(pc) =	sbr.rel @p1 .LBB2_2-.Ltmp0, $4  }
0x44: {  	p0 =	sgt.u32 s23, $0x4D;
	[sflag:s28] =	ssyncset.done $0x0  }
0x45: {  	s23 =	simm.s32 @!p0 $0x80;
	s24 =	simm.s32 @!p0 $0x5400;
	[sflag:s28] =	ssyncadd.s32 $0xFFFFFF80  }
0x46: {  	[spmem:s2] =	stream.indirect.scatter.add.f32 @!p0 [tilespmem:s24], [sflag:$0x1], $0x1, s20, s23, $0xb8;
	[tilespmem:$0x5480] =	vst v63  }
0x47: {  	s21 =	sadd.s32 $0x80, s21;
	s20 =	sadd.s32 $0x80, s20  }
0x48: {  	[spmem:s3] =	stream.indirect.scatter.add.f32 @!p0 [tilespmem:s24], [sflag:$0x2], $0x1, s22, s23, $0xb8;
	[tilespmem:$0x5480] =	vst v63  }
0x49: {  	_ = 	snop  }
0x4a: {  	[spmem:s2] =	stream.indirect.scatter.add.f32 [tilespmem:s18], [sflag:$0x1], $0x1, s30, s29, $0xb8;
	[tilespmem:$0x5480] =	vst v63  }
0x4b: {  	_ = 	snop  }
0x4c: {  	[spmem:s3] =	stream.indirect.scatter.add.f32 [tilespmem:s18], [sflag:$0x2], $0x1, s31, s29, $0xb8;
	[tilespmem:$0x5480] =	vst v63  }
0x4d: {  	_ =	swait.ge [sflag:s26], $0x10  }
0x4e: {  	[sflag:s26] =	ssyncset.done $0x0  }
0x4f: {  	[sflag:s26] =	ssyncadd.s32 $0xFFFFFFF0  }
0x50: {  	_ =	swait.ge [sflag:s28], $0x10  }
0x51: {  	[sflag:s28] =	ssyncset.done $0x0  }
0x52: {  	[sflag:s28] =	ssyncadd.s32 $0xFFFFFFF0  }
0x53: {  	[bflag:$0x0] =	sbarrier.arrive $0xFFFF  }
0x54: {  	[hbm:s11], [sflag:s7] =	dma.local [spmem:s13], $0x50  }
0x55: {  	s0 =	sadd.s32 $0x1, s0;
	_ =	swait.ge [sflag:s14], $0x50  }
0x56: {  	p0 =	sne.s32 s0, s10;
	[sflag:s14] =	ssyncset.done $0x0  }
.Ltmp1:
0x57: {  	[sflag:s14] =	ssyncadd.s32 $0xFFFFFFB0;
	(pc) =	sbr.rel @p0 .LBB2_1-.Ltmp1, $4  }
0x58: {  	[hbm:s12], [sflag:s7] =	dma.local [spmem:s15], $0x50  }
0x59: {  	_ =	swait.ge [sflag:s14], $0x50  }
0x5a: {  	[sflag:s14] =	ssyncset.done $0x0  }
0x5b: {  	[sflag:s14] =	ssyncadd.s32 $0xFFFFFFB0  }
0x5c: {  	_ =	sfence.sel $0x180000  }
0x5d: {  	[bflag:$0x0] =	sbarrier.arrive $0xFFFF  }
0x5e: {  	_ =	strace $0x90000047  }
0x5f: {  	s0 =	stileid.u32;
	[bflag:$0x2] =	sbarrier.arrive $0xFFFF  }
0x60: {  	p0 =	sne.s32 s0, $0x0;
	s0 =	rddreg [dreg:$0x4]  }
0x61: {  	s0 =	sadd.s32 @!p0 $0x100000, s0  }
0x62: {  	[sflag:s0] =	ssyncadd.tile.s32 @!p0 $0x1;
	_ =	shalt  }
.Lfunc_end2:
_tile_overlayer_lowered:
.L_overlay_start_2:
0x63: {  	(tag) =	ssettag $0x2  }
0x64: {  	s0 =	rddreg [dreg:$0x0];
	s2 =	stileid.u32  }
0x65: {  	s1 =	rddreg [dreg:$0x1];
	p0 =	sne.s32 s2, $0x0  }
0x66: {  	s3 =	rddreg [dreg:$0x2];
	[bflag:$0x3] =	sbarrier.arrive $0xFFFF;
	s2 =	simm.s32 @!p0 $0x1C03  }
0x67: {  	[timem:s3], [sflag:s2] =	dma.local @!p0 [hbm:s0], s1  }
0x68: {  	s0 =	simm.s32 @!p0 $0x3  }
0x69: {  	_ =	swait.ge @!p0 [sflag:s0], s1  }
0x6a: {  	s1 =	ssub.s32 @!p0 $0x0, s1;
	[sflag:s0] =	ssyncset.done @!p0 $0x0  }
0x6b: {  	[sflag:s0] =	ssyncadd.s32 @!p0 s1  }
0x6c: {  	[bflag:$0x3] =	sbarrier.arrive $0xFFFF  }
0x6d: {  	_ =	shalt  }

// kernel: kernel.9.cloned.1.call-start
scs
__scs_entry_jumppad:
0x0: {  	(pc) =	sbr.rel $0x88, $3  }
0x1: {  	(tag) =	ssettag $0x0;
	lr =	simm.s32 $0x1  }
0x2: {  	[smem:$0x3F9D] =	sst lr;
	_ =	strace $0xD0000000  }
0x3: {  	_ = 	snop  }
0x4: {  	_ = 	snop  }
0x5: {  	_ = 	snop  }
0x6: {  	_ = 	snop  }
0x7: {  	_ = 	snop  }
__scs_overlays_trampoline_lowered:
0x8: {  	[smem:$0x3FAC] =	sst s0  }
0x9: {  	[smem:$0x3FAD] =	sst s1  }
0xa: {  	[smem:$0x3FAE] =	sst s2  }
0xb: {  	[smem:$0x3FAF] =	sst s3  }
0xc: {  	[smem:$0x3FB0] =	sst s4  }
0xd: {  	[smem:$0x3FB1] =	sst s5  }
0xe: {  	[smem:$0x3FB2] =	sst s6  }
0xf: {  	[smem:$0x3FB3] =	sst s7  }
0x10: {  	[smem:$0x3FB4] =	sst s8  }
0x11: {  	[smem:$0x3FB5] =	sst s9;
	s0 =	simm.s32 @!p0 $0x0  }
0x12: {  	s1 =	sld [smem:$0x3F9B];
	s0 =	simm.s32 @p0 $0x1  }
0x13: {  	[smem:$0x3FB6] =	sst s0;
	s0 =	simm.s32 @!p1 $0x0  }
0x14: {  	s2 =	sld [smem:$0x3F9A];
	s0 =	simm.s32 @p1 $0x1  }
0x15: {  	[smem:$0x3FB7] =	sst s0;
	s0 =	simm.s32 @!p2 $0x0  }
0x16: {  	s3 =	sld [smem:$0x3FDB];
	s0 =	simm.s32 @p2 $0x1  }
0x17: {  	s4 =	simm.s32 $0x1BF5;
	[smem:$0x3FB9] =	sst s0  }
0x18: {  	s0 =	sld [smem:$0x3F9C];
	_ =	swait.ge [sflag:s4], $0x0  }
0x19: {  	s7 =	sld [smem:$0x3F9D]  }
0x1a: {  	s8 =	sadd.s32 $0xFFFFE003, lr  }
0x1b: {  	s9 =	sadd.s32 $0xFFFFFEF7, lr;
	s5 =	simm.s32 $0xFFFFFFFF;
	p2 =	slt.u32 s8, $0xFFFFF086  }
0x1c: {  	p1 =	slt.u32 s9, $0xF7A;
	s5 =	simm.s32 @!p2 $0x0  }
0x1d: {  	s5 =	simm.s32 @p1 $0x1;
	p0 =	seq.s32 s7, s2  }
0x1e: {  	s7 =	smul.u32 @!p0 $0xF7A, s2;
	p2 =	seq.s32 @!p0 s5, $0x0  }
0x1f: {  	s9 =	smul.u32 $0xF7A, s1;
	s8 =	simm.s32 @!p0 $0x1BF5;
	p2 =	por !p2, p0  }
0x20: {  	[sflag:s8] =	ssyncset.s32 @!p0 $0xFFFFF086;
	s6 =	sadd.s32 @!p0 s3, s7;
	s7 =	simm.s32 @!p0 $0x108  }
0x21: {  	s3 =	sadd.s32 s3, s9;
	s6 =	sadd.s32 @!p0 $0x88, s6;
	s7 =	simm.s32 @p2 $0x1082  }
0x22: {  	[simem:s7], [sflag:s8] =	dma.local @!p0 [hbm:s6], $0xF7A  }
0x23: {  	s9 =	sor.u32 $0xD0000000, s2;
	s6 =	simm.s32 $0x108;
	_ =	swait.ge @!p0 [sflag:s8], $0x0  }
0x24: {  	s3 =	sadd.s32 $0x88, s3;
	s6 =	simm.s32 @!p1 $0x1082;
	[sflag:s4] =	ssyncset.s32 $0xFFFFF086  }
0x25: {  	[simem:s6], [sflag:s4] =	dma.local [hbm:s3], $0xF7A  }
0x26: {  	[smem:$0x3F9D] =	sst s1;
	(tag) =	ssettag s2;
	_ =	strace s9  }
0x27: {  	s1 =	sld [smem:$0x3FAD]  }
0x28: {  	s2 =	sld [smem:$0x3FAE]  }
0x29: {  	s4 =	sld [smem:$0x3FB0]  }
0x2a: {  	p0 =	seq.s32 s5, $0x0;
	s5 =	sld [smem:$0x3FB1]  }
0x2b: {  	s6 =	sld [smem:$0x3FB2]  }
0x2c: {  	s7 =	sld [smem:$0x3FB3]  }
0x2d: {  	s3 =	simm.s32 $0x108;
	s8 =	sld [smem:$0x3FB4]  }
0x2e: {  	s3 =	simm.s32 @!p0 $0x1082;
	s9 =	sld [smem:$0x3FB5]  }
0x2f: {  	lr =	sadd.s32 s0, s3;
	s0 =	sld [smem:$0x3FAC]  }
0x30: {  	s3 =	sld [smem:$0x3FAF]  }
0x31: {  	[smem:$0x3FB8] =	sst s10  }
0x32: {  	s10 =	sld [smem:$0x3FB6];
	_ =	sdelay $0x3  }
0x33: {  	p0 =	seq.s32 s10, $0x1;
	s10 =	sld [smem:$0x3FB8];
	_ =	sdelay $0x3  }
0x34: {  	[smem:$0x3FB8] =	sst s10  }
0x35: {  	s10 =	sld [smem:$0x3FB7];
	_ =	sdelay $0x3  }
0x36: {  	p1 =	seq.s32 s10, $0x1;
	s10 =	sld [smem:$0x3FB8];
	_ =	sdelay $0x3  }
0x37: {  	[smem:$0x3FB8] =	sst s10  }
0x38: {  	s10 =	sld [smem:$0x3FB9]  }
0x39: {  	_ = 	snop;
	(pc) =	sbr.ind lr, $3  }
0x3a: {  	_ = 	snop  }
0x3b: {  	_ = 	snop  }
0x3c: {  	p2 =	seq.s32 s10, $0x1;
	s10 =	sld [smem:$0x3FB8]  }
0x3d: {  	_ =	shalt  }
0x3e: {  	_ =	shalt  }
0x3f: {  	_ =	shalt  }
0x40: {  	_ =	shalt  }
0x41: {  	_ =	shalt  }
0x42: {  	_ =	shalt  }
0x43: {  	_ =	shalt  }
0x44: {  	_ =	shalt  }
0x45: {  	_ =	shalt  }
0x46: {  	_ =	shalt  }
0x47: {  	_ =	shalt  }
0x48: {  	_ =	shalt  }
0x49: {  	_ =	shalt  }
0x4a: {  	_ =	shalt  }
0x4b: {  	_ =	shalt  }
0x4c: {  	_ =	shalt  }
0x4d: {  	_ =	shalt  }
0x4e: {  	_ =	shalt  }
0x4f: {  	_ =	shalt  }
0x50: {  	_ =	shalt  }
0x51: {  	_ =	shalt  }
0x52: {  	_ =	shalt  }
0x53: {  	_ =	shalt  }
0x54: {  	_ =	shalt  }
0x55: {  	_ =	shalt  }
0x56: {  	_ =	shalt  }
0x57: {  	_ =	shalt  }
0x58: {  	_ =	shalt  }
0x59: {  	_ =	shalt  }
0x5a: {  	_ =	shalt  }
0x5b: {  	_ =	shalt  }
0x5c: {  	_ =	shalt  }
0x5d: {  	_ =	shalt  }
0x5e: {  	_ =	shalt  }
0x5f: {  	_ =	shalt  }
0x60: {  	_ =	shalt  }
0x61: {  	_ =	shalt  }
0x62: {  	_ =	shalt  }
0x63: {  	_ =	shalt  }
0x64: {  	_ =	shalt  }
0x65: {  	_ =	shalt  }
0x66: {  	_ =	shalt  }
0x67: {  	_ =	shalt  }
0x68: {  	_ =	shalt  }
0x69: {  	_ =	shalt  }
0x6a: {  	_ =	shalt  }
0x6b: {  	_ =	shalt  }
0x6c: {  	_ =	shalt  }
0x6d: {  	_ =	shalt  }
0x6e: {  	_ =	shalt  }
0x6f: {  	_ =	shalt  }
0x70: {  	_ =	shalt  }
0x71: {  	_ =	shalt  }
0x72: {  	_ =	shalt  }
0x73: {  	_ =	shalt  }
0x74: {  	_ =	shalt  }
0x75: {  	_ =	shalt  }
0x76: {  	_ =	shalt  }
0x77: {  	_ =	shalt  }
0x78: {  	_ =	shalt  }
0x79: {  	_ =	shalt  }
0x7a: {  	_ =	shalt  }
0x7b: {  	_ =	shalt  }
0x7c: {  	_ =	shalt  }
0x7d: {  	_ =	shalt  }
0x7e: {  	_ =	shalt  }
0x7f: {  	_ =	shalt  }
0x80: {  	_ =	shalt  }
0x81: {  	_ =	shalt  }
0x82: {  	_ =	shalt  }
0x83: {  	_ =	shalt  }
0x84: {  	_ =	shalt  }
0x85: {  	_ =	shalt  }
0x86: {  	_ =	shalt  }
0x87: {  	_ =	shalt  }
.Lfunc_end0:
.L_simem_size_0:
called_computation.1_lowered:
.L_overlay_start_0:
0x88: {  	s2 =	sld [smem:$0x3FD9]  }
0x89: {  	s3 =	sld [smem:$0x3FFE];
	_ =	sdelay $0x1  }
0x8a: {  	s1 =	srdreg.scid  }
0x8b: {  	s0 =	sand.u32 $0x1, s1  }
0x8c: {  	s17 =	sshll.u32 s0, $0xA;
	s2 =	sadd.s32 s3, s2  }
0x8d: {  	s2 =	sadd.s32 s2, s17  }
0x8e: {  	[smem:$0x3FC4] =	sst s2  }
0x8f: {  	_ = 	snop  }
0x90: {  	s2 =	sld [smem:$0x3FD0];
	(tm) =	ssettm $0x1  }
0x91: {  	s18 =	sld [smem:$0x3FFB];
	_ =	sdelay $0x3  }
0x92: {  	_ =	strace s18  }
0x93: {  	s3 =	sld [smem:$0x3FFC];
	_ =	sdelay $0x3  }
0x94: {  	_ =	strace s3  }
0x95: {  	s3 =	sld [smem:$0x3FFD];
	_ =	sdelay $0x3  }
0x96: {  	_ =	strace s3  }
0x97: {  	_ =	strace $0x8FFFFFFF  }
0x98: {  	s19 =	sld [smem:$0x3FDB];
	_ =	sdelay $0x1  }
0x99: {  	s4 =	simm.s32 $_scs_section_size  }
0x9a: {  	s5 =	simm.s32 $_size__tile_overlayer_lowered;
	s6 =	simm.s32 $_tile_overlayer_lowered  }
0x9b: {  	s22 =	simm.s32 $0x1BFF;
	s21 =	sshll.u32 s6, $0x1;
	s3 =	sadd.s32 s4, s19  }
0x9c: {  	s7 =	simm.s32 $0x0;
	s20 =	sshll.u32 s5, $0x1;
	s5 =	sadd.s32 s21, s3  }
0x9d: {  	[timem:s7], [sflag:s22] =	dma.local [hbm:s5], s20  }
0x9e: {  	_ =	swait.ge [sflag:s22], s20  }
0x9f: {  	s4 =	ssub.s32 $0x0, s20;
	[sflag:s22] =	ssyncset.done $0x0  }
0xa0: {  	[sflag:s22] =	ssyncadd.s32 s4;
	_ =	sdelay $0x1  }
0xa1: {  	s23 =	simm.s32 $0x1B8B  }
0xa2: {  	_ =	swait.ge [sflag:s23], $0x1  }
0xa3: {  	[sflag:s23] =	ssyncset.done $0x0  }
0xa4: {  	s25 =	simm.s32 $0x1B8E;
	s24 =	sld [smem:$0x3FFE];
	[sflag:s23] =	ssyncadd.s32 $0xFFFFFFFF  }
0xa5: {  	s26 =	simm.s32 $execute0_lowered;
	[smem:$0x3FD2] =	sst s25  }
0xa6: {  	s5 =	sshll.u32 s26, $0x1;
	_ =	strace $0x80000049;
	[dreg:$0x1] =	wrdreg $0xFFFFFFFF  }
0xa7: {  	s28 =	simm.s32 $_size_execute0_lowered;
	s3 =	sadd.s32 s3, s5;
	[dreg:$0x0] =	wrdreg $0x0  }
0xa8: {  	s5 =	sshll.u32 s28, $0x1;
	[dreg:$0x2] =	wrdreg s3  }
0xa9: {  	[dreg:$0x3] =	wrdreg s5  }
0xaa: {  	[dreg:$0x4] =	wrdreg $0xC0  }
0xab: {  	_ =	task [dreg:s7], $0x5FFFF  }
0xac: {  	[dreg:$0x1] =	wrdreg $0xFFFFFFFF  }
0xad: {  	[dreg:$0x0] =	wrdreg $0x60  }
0xae: {  	[dreg:$0x2] =	wrdreg s2  }
0xaf: {  	[dreg:$0x3] =	wrdreg s24  }
0xb0: {  	[dreg:$0x4] =	wrdreg $0x0  }
0xb1: {  	[dreg:$0x5] =	wrdreg $0x9  }
0xb2: {  	_ =	task.clear_ibuf [dreg:s7], $0x6FFFF;
	_ =	strace $0x90000049  }
0xb3: {  	s29 =	simm.s32 $0x9;
	_ =	strace $0x8000004B  }
0xb4: {  	_ =	swait.ge [sflag:s29], $0x1  }
0xb5: {  	[sflag:s29] =	ssyncadd.s32 $0xFFFFFFFF  }
0xb6: {  	_ =	strace $0x9000004B  }
0xb7: {  	_ =	sfence  }
0xb8: {  	s30 =	sld [smem:$0x0];
	_ =	sdelay $0x2  }
0xb9: {  	s31 =	sshll.u32 s1, $0xD;
	s1 =	sshrl.u32 s1, $0x2  }
0xba: {  	s3 =	sand.u32 $0x4000, s31;
	s1 =	sadd.s32 s1, s30  }
0xbb: {  	s0 =	sor.u32 s3, s0;
	s1 =	sshll.u32 s1, $0x11  }
0xbc: {  	s0 =	sor.u32 s1, s0  }
0xbd: {  	s0 =	sadd.s32 $0x8F2B, s0  }
0xbe: {  	[sflag:s0] =	ssyncadd.remote.s32 $0x1  }
0xbf: {  	_ =	sfence.sel $0xFFFF  }
0xc0: {  	[dreg:$0x0] =	wrdreg $0xFFFFFFFF;
	(pc) =	sbr.abs _section_cstart, $3  }
0xc1: {  	[dreg:$0x1] =	wrdreg $0xFFFFFFFF  }
0xc2: {  	_ =	task.clear_ibuf [dreg:s7], $0x2FFFF;
	_ =	strace $0x9FFFFFFF  }
0xc3: {  	(tm) =	ssettm $0x7FFFFFFF  }
tec
execute0_lowered:
.L_overlay_start_1:
0x0: {  	(tag) =	ssettag $0x1  }
0x1: {  	s1 =	rddreg [dreg:$0x0]  }
0x2: {  	s0 =	rddreg [dreg:$0x1]  }
0x3: {  	s2 =	rddreg [dreg:$0x2]  }
0x4: {  	s4 =	simm.s32 $0x0;
	s3 =	srdreg.scid;
	s12 =	stileid.u32  }
0x5: {  	s28 =	simm.s32 $0x80;
	s29 =	simm.s32 $0x14200;
	s30 =	simm.s32 $0x2  }
0x6: {  	s31 =	simm.s32 $0x3;
	[smem:$0x7FF] =	sst s4;
	s8 =	smul.u32 $0x14000, s12  }
0x7: {  	s3 =	sand.u32 $0x1, s3;
	s5 =	sadd.s32 $0xB400, s0;
	s16 =	smul.u32 $0x50000, s12  }
0x8: {  	s6 =	sadd.s32 $0x1600, s0;
	s9 =	sadd.s32 $0x15200, s0;
	s13 =	smul.u32 $0x2710, s12  }
0x9: {  	s18 =	sshll.u32 s12, $0x6;
	s7 =	smul.u32 $0x140000, s3;
	_ =	strace $0x8000004A  }
0xa: {  	[dreg:$0x4] =	wrdreg s9;
	s15 =	sshll.u32 s3, $0x4;
	s10 =	ssub.s32 $0x2, s3  }
0xb: {  	s3 =	smul.u32 $0x27100, s3;
	s11 =	sshrl.u32 s10, $0x1;
	s9 =	sshrl.u32 s16, $0x2  }
0xc: {  	s7 =	sadd.s32 s8, s7;
	s8 =	sor.u32 s12, s15;
	s17 =	ssub.s32 s10, s11  }
0xd: {  	s9 =	sadd.s32 s9, s2;
	s3 =	sadd.s32 s13, s3;
	s7 =	sshrl.u32 s7, $0x3  }
0xe: {  	s8 =	smul.u32 $0x2710, s8;
	s25 =	sadd.s32 $0x180, s3;
	s16 =	smax.u32 s17, $0x1  }
0xf: {  	s0 =	sadd.s32 s7, s0;
	s26 =	sshrl.u32 s25, $0x3;
	s25 =	simm.s32 $0x14180  }
0x10: {  	s7 =	simm.s32 $0x10;
	s19 =	sshrl.u32 s8, $0x3;
	s8 =	sor.u32 $0x1C05, s18  }
0x11: {  	s15 =	sadd.s32 $0x17A00, s0;
	s17 =	sadd.s32 s26, s6;
	s18 =	sadd.s32 s26, s5  }
0x12: {  	s26 =	simm.s32 $0x1;
	s0 =	simm.s32 $0x18200;
	s21 =	sadd.s32 s5, s19  }
0x13: {  	s20 =	sadd.s32 $0x10, s19;
	s22 =	sadd.s32 s6, s19;
	[dreg:$0x5] =	wrdreg s21  }
0x14: {  	s24 =	sadd.s32 $0x4E0, s19;
	[dreg:$0x6] =	wrdreg s22;
	s23 =	sadd.s32 s5, s20  }
0x15: {  	s10 =	sadd.s32 s6, s20;
	s11 =	sadd.s32 s5, s24;
	[dreg:$0x7] =	wrdreg s23  }
0x16: {  	s20 =	sshrl.u32 s9, $0x3;
	s21 =	simm.s32 $0x5;
	[dreg:$0x8] =	wrdreg s10  }
0x17: {  	s22 =	simm.s32 $0x14000;
	s9 =	simm.s32 $0x0;
	[dreg:$0x9] =	wrdreg s11  }
0x18: {  	s10 =	sadd.s32 s6, s24;
	s11 =	sadd.s32 $0x100, s3;
	s23 =	simm.s32 $0x14080  }
0x19: {  	s24 =	simm.s32 $0x14100;
	s3 =	simm.s32 $0x4;
	[dreg:$0xa] =	wrdreg s10  }
.LBB2_1:
0x1a: {  	s10 =	rddreg [dreg:$0x4]  }
0x1b: {  	[spmem:s20], [sflag:s8] =	dma.local [hbm:s10], $0x2800  }
0x1c: {  	_ =	swait.ge [sflag:s21], $0x2800  }
0x1d: {  	[sflag:s21] =	ssyncset.done $0x0  }
0x1e: {  	[sflag:s21] =	ssyncadd.s32 $0xFFFFD800  }
0x1f: {  	[bflag:$0x0] =	sbarrier.arrive $0xFFFF  }
0x20: {  	s13 =	rddreg [dreg:$0x5]  }
0x21: {  	[tilespmem:s22], [sflag:$0x1] =	stream.linear.gather [hbm4b:s13+s4], $0x80, $0x38;
	[tilespmem:$0x1C200] =	vst v63  }
0x22: {  	s14 =	rddreg [dreg:$0x6]  }
0x23: {  	[tilespmem:s23], [sflag:$0x1] =	stream.linear.gather [hbm4b:s14+s4], $0x80, $0x38;
	[tilespmem:$0x1C200] =	vst v63  }
0x24: {  	s19 =	rddreg [dreg:$0x7]  }
0x25: {  	[tilespmem:s24], [sflag:$0x2] =	stream.linear.gather [hbm4b:s19+s4], $0x80, $0x38;
	[tilespmem:$0x1C200] =	vst v63  }
0x26: {  	s12 =	rddreg [dreg:$0x8]  }
0x27: {  	[tilespmem:s25], [sflag:$0x2] =	stream.linear.gather [hbm4b:s12+s4], $0x80, $0x38;
	[tilespmem:$0x1C200] =	vst v63  }
0x28: {  	_ =	swait.ge [sflag:s26], $0x80  }
0x29: {  	[sflag:s26] =	ssyncset.done $0x0  }
0x2a: {  	[sflag:s26] =	ssyncadd.s32 $0xFFFFFF80  }
0x2b: {  	_ =	swait.ge [sflag:s26], $0x80  }
0x2c: {  	[sflag:s26] =	ssyncset.done $0x0  }
0x2d: {  	[sflag:s26] =	ssyncadd.s32 $0xFFFFFF80  }
0x2e: {  	[tilespmem:s29], [sflag:$0x3] =	stream.indirect.gather [hbm4b:s1+s28], $0x80, s22, s28, $0xb8;
	[tilespmem:$0x1C200] =	vst v63  }
0x2f: {  	_ =	swait.ge [sflag:s30], $0x80  }
0x30: {  	[sflag:s30] =	ssyncset.done $0x0  }
0x31: {  	[sflag:s30] =	ssyncadd.s32 $0xFFFFFF80  }
0x32: {  	_ =	swait.ge [sflag:s30], $0x80  }
0x33: {  	[sflag:s30] =	ssyncset.done $0x0  }
0x34: {  	[sflag:s30] =	ssyncadd.s32 $0xFFFFFF80  }
0x35: {  	_ =	swait.ge [sflag:s31], $0x4000  }
0x36: {  	[sflag:s31] =	ssyncset.done $0x0  }
0x37: {  	[sflag:s31] =	ssyncadd.s32 $0xFFFFC000  }
0x38: {  	[tilespmem:s0], [sflag:$0x4] =	stream.indirect.gather [hbm4b:s1+s28], $0x80, s24, s28, $0xb8;
	[tilespmem:$0x1C200] =	vst v63  }
0x39: {  	_ = 	snop  }
0x3a: {  	[spmem:s2] =	stream.indirect.scatter.add.f32 [tilespmem:s29], [sflag:$0x5], $0x80, s23, s28, $0xb8;
	[tilespmem:$0x1C200] =	vst v63  }
0x3b: {  	_ =	swait.ge [sflag:s21], $0x4000  }
0x3c: {  	s13 =	sshrl.u32 s11, $0x3;
	[sflag:s21] =	ssyncset.done $0x0  }
0x3d: {  	s19 =	sadd.s32 s5, s13;
	[sflag:s21] =	ssyncadd.s32 $0xFFFFC000  }
0x3e: {  	[tilespmem:s22], [sflag:$0x1] =	stream.linear.gather [hbm4b:s19+s4], $0x80, $0x38;
	[tilespmem:$0x1C200] =	vst v63  }
0x3f: {  	s10 =	sadd.s32 s6, s13  }
0x40: {  	[tilespmem:s23], [sflag:$0x1] =	stream.linear.gather [hbm4b:s10+s4], $0x80, $0x38;
	[tilespmem:$0x1C200] =	vst v63  }
0x41: {  	_ =	swait.ge [sflag:s3], $0x4000  }
0x42: {  	[sflag:s3] =	ssyncset.done $0x0  }
0x43: {  	[sflag:s3] =	ssyncadd.s32 $0xFFFFC000  }
0x44: {  	_ =	swait.ge [sflag:s26], $0x80  }
0x45: {  	[sflag:s26] =	ssyncset.done $0x0  }
0x46: {  	[sflag:s26] =	ssyncadd.s32 $0xFFFFFF80  }
0x47: {  	_ =	swait.ge [sflag:s26], $0x80  }
0x48: {  	[sflag:s26] =	ssyncset.done $0x0  }
0x49: {  	[sflag:s26] =	ssyncadd.s32 $0xFFFFFF80  }
0x4a: {  	[tilespmem:s29], [sflag:$0x3] =	stream.indirect.gather [hbm4b:s1+s28], $0x80, s22, s28, $0xb8;
	[tilespmem:$0x1C200] =	vst v63  }
0x4b: {  	_ = 	snop  }
0x4c: {  	[spmem:s2] =	stream.indirect.scatter.add.f32 [tilespmem:s0], [sflag:$0x5], $0x80, s25, s28, $0xb8;
	[tilespmem:$0x1C200] =	vst v63  }
0x4d: {  	_ =	swait.ge [sflag:s21], $0x4000  }
0x4e: {  	[sflag:s21] =	ssyncset.done $0x0  }
0x4f: {  	s14 =	sadd.s32 $0x0, s18;
	[sflag:s21] =	ssyncadd.s32 $0xFFFFC000  }
0x50: {  	[tilespmem:s24], [sflag:$0x2] =	stream.linear.gather [hbm4b:s14+s4], $0x80, $0x38;
	[tilespmem:$0x1C200] =	vst v63  }
0x51: {  	s19 =	sadd.s32 $0x0, s17  }
0x52: {  	[tilespmem:s25], [sflag:$0x2] =	stream.linear.gather [hbm4b:s19+s4], $0x80, $0x38;
	[tilespmem:$0x1C200] =	vst v63  }
0x53: {  	_ =	swait.ge [sflag:s30], $0x80  }
0x54: {  	[sflag:s30] =	ssyncset.done $0x0  }
0x55: {  	[sflag:s30] =	ssyncadd.s32 $0xFFFFFF80  }
0x56: {  	_ =	swait.ge [sflag:s30], $0x80  }
0x57: {  	s10 =	simm.s32 $0x20;
	s19 =	smov.u32 s11;
	[sflag:s30] =	ssyncset.done $0x0  }
.LBB2_2:
0x58: {  	p0 =	sne.s32 s10, $0x4A0;
	[sflag:s30] =	ssyncadd.s32 $0xFFFFFF80;
	s19 =	sadd.s32 $0x100, s19  }
0x59: {  	s12 =	smov.u32 s10;
	s10 =	sadd.s32 $0x20, s10;
	_ =	swait.ge [sflag:s31], $0x4000  }
0x5a: {  	[sflag:s31] =	ssyncset.done $0x0  }
0x5b: {  	[sflag:s31] =	ssyncadd.s32 $0xFFFFC000  }
0x5c: {  	[tilespmem:s0], [sflag:$0x4] =	stream.indirect.gather [hbm4b:s1+s28], $0x80, s24, s28, $0xb8;
	[tilespmem:$0x1C200] =	vst v63  }
0x5d: {  	_ = 	snop  }
0x5e: {  	[spmem:s2] =	stream.indirect.scatter.add.f32 [tilespmem:s29], [sflag:$0x5], $0x80, s23, s28, $0xb8;
	[tilespmem:$0x1C200] =	vst v63  }
0x5f: {  	_ =	swait.ge [sflag:s21], $0x4000  }
0x60: {  	s13 =	sshrl.u32 s19, $0x3;
	[sflag:s21] =	ssyncset.done $0x0  }
0x61: {  	s14 =	sadd.s32 s5, s13;
	[sflag:s21] =	ssyncadd.s32 $0xFFFFC000  }
0x62: {  	[tilespmem:s22], [sflag:$0x1] =	stream.linear.gather [hbm4b:s14+s4], $0x80, $0x38;
	[tilespmem:$0x1C200] =	vst v63  }
0x63: {  	s13 =	sadd.s32 s6, s13  }
0x64: {  	[tilespmem:s23], [sflag:$0x1] =	stream.linear.gather [hbm4b:s13+s4], $0x80, $0x38;
	[tilespmem:$0x1C200] =	vst v63  }
0x65: {  	_ =	swait.ge [sflag:s3], $0x4000  }
0x66: {  	[sflag:s3] =	ssyncset.done $0x0  }
0x67: {  	[sflag:s3] =	ssyncadd.s32 $0xFFFFC000  }
0x68: {  	_ =	swait.ge [sflag:s26], $0x80  }
0x69: {  	[sflag:s26] =	ssyncset.done $0x0  }
0x6a: {  	[sflag:s26] =	ssyncadd.s32 $0xFFFFFF80  }
0x6b: {  	_ =	swait.ge [sflag:s26], $0x80  }
0x6c: {  	[sflag:s26] =	ssyncset.done $0x0  }
0x6d: {  	[sflag:s26] =	ssyncadd.s32 $0xFFFFFF80  }
0x6e: {  	[tilespmem:s29], [sflag:$0x3] =	stream.indirect.gather [hbm4b:s1+s28], $0x80, s22, s28, $0xb8;
	[tilespmem:$0x1C200] =	vst v63  }
0x6f: {  	_ = 	snop  }
0x70: {  	[spmem:s2] =	stream.indirect.scatter.add.f32 [tilespmem:s0], [sflag:$0x5], $0x80, s25, s28, $0xb8;
	[tilespmem:$0x1C200] =	vst v63  }
0x71: {  	_ =	swait.ge [sflag:s21], $0x4000  }
0x72: {  	[sflag:s21] =	ssyncset.done $0x0  }
0x73: {  	s13 =	sadd.s32 s12, s18;
	[sflag:s21] =	ssyncadd.s32 $0xFFFFC000  }
0x74: {  	[tilespmem:s24], [sflag:$0x2] =	stream.linear.gather [hbm4b:s13+s4], $0x80, $0x38;
	[tilespmem:$0x1C200] =	vst v63  }
0x75: {  	s12 =	sadd.s32 s12, s17  }
0x76: {  	[tilespmem:s25], [sflag:$0x2] =	stream.linear.gather [hbm4b:s12+s4], $0x80, $0x38;
	[tilespmem:$0x1C200] =	vst v63  }
.Ltmp0:
0x77: {  	_ =	swait.ge [sflag:s30], $0x80;
	(pc) =	sbr.rel @p0 .LBB2_2-.Ltmp0, $4  }
0x78: {  	[sflag:s30] =	ssyncset.done $0x0  }
0x79: {  	[sflag:s30] =	ssyncadd.s32 $0xFFFFFF80  }
0x7a: {  	_ =	swait.ge [sflag:s30], $0x80  }
0x7b: {  	[sflag:s30] =	ssyncset.done $0x0  }
0x7c: {  	[sflag:s30] =	ssyncadd.s32 $0xFFFFFF80  }
0x7d: {  	_ =	swait.ge [sflag:s31], $0x4000  }
0x7e: {  	[sflag:s31] =	ssyncset.done $0x0  }
0x7f: {  	[sflag:s31] =	ssyncadd.s32 $0xFFFFC000  }
0x80: {  	[tilespmem:s0], [sflag:$0x4] =	stream.indirect.gather [hbm4b:s1+s28], $0x80, s24, s28, $0xb8;
	[tilespmem:$0x1C200] =	vst v63  }
0x81: {  	_ = 	snop  }
0x82: {  	[spmem:s2] =	stream.indirect.scatter.add.f32 [tilespmem:s29], [sflag:$0x5], $0x80, s23, s28, $0xb8;
	[tilespmem:$0x1C200] =	vst v63  }
0x83: {  	_ =	swait.ge [sflag:s21], $0x4000  }
0x84: {  	[sflag:s21] =	ssyncset.done $0x0  }
0x85: {  	[sflag:s21] =	ssyncadd.s32 $0xFFFFC000  }
0x86: {  	_ =	swait.ge [sflag:s3], $0x4000  }
0x87: {  	[sflag:s3] =	ssyncset.done $0x0  }
0x88: {  	[sflag:s3] =	ssyncadd.s32 $0xFFFFC000  }
0x89: {  	[spmem:s2] =	stream.indirect.scatter.add.f32 [tilespmem:s0], [sflag:$0x5], $0x80, s25, s28, $0xb8;
	[tilespmem:$0x1C200] =	vst v63  }
0x8a: {  	_ =	swait.ge [sflag:s21], $0x4000  }
0x8b: {  	[sflag:s21] =	ssyncset.done $0x0  }
0x8c: {  	s10 =	rddreg [dreg:$0x9];
	[sflag:s21] =	ssyncadd.s32 $0xFFFFC000  }
0x8d: {  	[tilespmem:s22], [sflag:$0x5] =	stream.linear.gather [hbm4b:s10+s4], $0x10, $0x38;
	[tilespmem:$0x1C200] =	vst v63  }
0x8e: {  	_ =	swait.ge [sflag:s21], $0x10  }
0x8f: {  	[sflag:s21] =	ssyncset.done $0x0  }
0x90: {  	s19 =	rddreg [dreg:$0xa];
	[sflag:s21] =	ssyncadd.s32 $0xFFFFFFF0  }
0x91: {  	[tilespmem:s23], [sflag:$0x5] =	stream.linear.gather [hbm4b:s19+s4], $0x10, $0x38;
	[tilespmem:$0x1C200] =	vst v63  }
0x92: {  	_ =	swait.ge [sflag:s21], $0x10  }
0x93: {  	[sflag:s21] =	ssyncset.done $0x0  }
0x94: {  	[sflag:s21] =	ssyncadd.s32 $0xFFFFFFF0  }
0x95: {  	[tilespmem:s29], [sflag:$0x5] =	stream.indirect.gather [hbm4b:s1+s7], $0x80, s22, s7, $0xb8;
	[tilespmem:$0x1C200] =	vst v63  }
0x96: {  	_ =	swait.ge [sflag:s21], $0x800  }
0x97: {  	[sflag:s21] =	ssyncset.done $0x0  }
0x98: {  	[sflag:s21] =	ssyncadd.s32 $0xFFFFF800  }
0x99: {  	[spmem:s2] =	stream.indirect.scatter.add.f32 [tilespmem:s29], [sflag:$0x5], $0x80, s23, s7, $0xb8;
	[tilespmem:$0x1C200] =	vst v63  }
0x9a: {  	_ =	swait.ge [sflag:s21], $0x800  }
0x9b: {  	s9 =	sadd.s32 $0x1, s9;
	[sflag:s21] =	ssyncset.done $0x0  }
0x9c: {  	p0 =	sne.s32 s9, s16;
	[sflag:s21] =	ssyncadd.s32 $0xFFFFF800  }
.Ltmp1:
0x9d: {  	[bflag:$0x0] =	sbarrier.arrive $0xFFFF;
	(pc) =	sbr.rel @p0 .LBB2_1-.Ltmp1, $4  }
0x9e: {  	[hbm:s15], [sflag:s8] =	dma.local [spmem:s20], $0x2800  }
0x9f: {  	_ =	swait.ge [sflag:s21], $0x2800  }
0xa0: {  	[sflag:s21] =	ssyncset.done $0x0  }
0xa1: {  	[sflag:s21] =	ssyncadd.s32 $0xFFFFD800  }
0xa2: {  	_ =	sfence.sel $0x180000  }
0xa3: {  	[bflag:$0x0] =	sbarrier.arrive $0xFFFF  }
0xa4: {  	_ =	strace $0x9000004A  }
0xa5: {  	s0 =	stileid.u32;
	[bflag:$0x2] =	sbarrier.arrive $0xFFFF  }
0xa6: {  	p0 =	sne.s32 s0, $0x0;
	s0 =	rddreg [dreg:$0x3]  }
0xa7: {  	s0 =	sadd.s32 @!p0 $0x100000, s0  }
0xa8: {  	[sflag:s0] =	ssyncadd.tile.s32 @!p0 $0x1;
	_ =	shalt  }
.Lfunc_end2:
_tile_overlayer_lowered:
.L_overlay_start_2:
0xa9: {  	(tag) =	ssettag $0x2  }
0xaa: {  	s0 =	rddreg [dreg:$0x0];
	s2 =	stileid.u32  }
0xab: {  	s1 =	rddreg [dreg:$0x1];
	p0 =	sne.s32 s2, $0x0  }
0xac: {  	s3 =	rddreg [dreg:$0x2];
	[bflag:$0x3] =	sbarrier.arrive $0xFFFF;
	s2 =	simm.s32 @!p0 $0x1C05  }
0xad: {  	[timem:s3], [sflag:s2] =	dma.local @!p0 [hbm:s0], s1  }
0xae: {  	s0 =	simm.s32 @!p0 $0x5  }
0xaf: {  	_ =	swait.ge @!p0 [sflag:s0], s1  }
0xb0: {  	s1 =	ssub.s32 @!p0 $0x0, s1;
	[sflag:s0] =	ssyncset.done @!p0 $0x0  }
0xb1: {  	[sflag:s0] =	ssyncadd.s32 @!p0 s1  }
0xb2: {  	[bflag:$0x3] =	sbarrier.arrive $0xFFFF  }
0xb3: {  	_ =	shalt  }

</sc_bundles>
